<compile_context>
chip_gen: v7x
topology: tpu7x:2x2x1
jax: 0.10.2.dev20260603
libtpu: 0.0.44.dev20260713+nightly
codegen_flags: <defaults>
</compile_context>

<pallas_src>
import jax
import jax.numpy as jnp
from jax import lax
from jax.experimental import pallas as pl
from jax.experimental.pallas import tpu as pltpu
from jax.experimental.pallas import tpu_sc as plsc

SEQ = 512
CLS_ID = 101
SEP_ID = 102
PAD_ID = 0
TRIM = SEQ - 2
KCHUNKS = SEQ // 16

NC = 2
NS = 16
NW = NC * NS
B = 1024
ROWS_PER_W = B // NW
NQ = 4
QROWS = ROWS_PER_W // NQ
QITER = QROWS * KCHUNKS


def _words_body(tokens_hbm, lengths_hbm, word_hbm,
                tok_v, word_v, len_v, eff1_v, sems_in, sems_out):
    wid = lax.axis_index("s") * NC + lax.axis_index("c")
    base = wid * ROWS_PER_W

    cins = [
        pltpu.async_copy(tokens_hbm.at[pl.ds(base + q * QROWS, QROWS)],
                         tok_v.at[pl.ds(q * QROWS + 8, QROWS)], sems_in.at[q])
        for q in range(NQ)
    ]
    pltpu.sync_copy(lengths_hbm.at[pl.ds(base, ROWS_PER_W)], len_v)

    iota16 = lax.iota(jnp.int32, 16)
    iota_m1 = iota16 - 1
    lane0 = iota16 == 0
    cls16 = jnp.full((16,), CLS_ID, jnp.int32)
    sep16 = jnp.int32(SEP_ID)
    pad16 = jnp.int32(PAD_ID)
    zero16 = jnp.full((16,), 0, jnp.int32)

    def len_body(r, _):
        rvec = jnp.full((16,), r, jnp.int32)
        eff1_v[r, pl.ds(0, 16)] = (
            jnp.minimum(plsc.load_gather(len_v, [rvec]), TRIM) + 1)
        return 0

    lax.fori_loop(0, ROWS_PER_W, len_body, 0)

    couts = []
    for q in range(NQ):
        cins[q].wait()
        qrow = q * QROWS

        @plsc.parallel_loop(0, QITER, unroll=16)
        def flat_body(t):
            r = qrow + (t >> 5)
            i = (t & 31) * 16
            rvec = jnp.full((16,), r + 8, jnp.int32)
            p = iota16 + i
            g = plsc.load_gather(tok_v, [rvec, iota_m1 + i])
            eff1 = eff1_v[r, pl.ds(0, 16)]
            word_v[r, pl.ds(i, 16)] = jnp.where(
                p < eff1, g, jnp.where(p == eff1, sep16, pad16))

        def cls_body(r, _):
            rvec = jnp.full((16,), r, jnp.int32)
            plsc.store_scatter(word_v, [rvec, zero16], cls16, mask=lane0)
            return 0

        lax.fori_loop(qrow, qrow + QROWS, cls_body, 0)

        couts.append(
            pltpu.async_copy(word_v.at[pl.ds(qrow, QROWS)],
                             word_hbm.at[pl.ds(base + qrow, QROWS)],
                             sems_out.at[q]))
    for c in couts:
        c.wait()


def _mask_body(len_ref, mask_ref):
    eff1 = jnp.minimum(len_ref[:, :], TRIM) + 1
    pos = lax.broadcasted_iota(jnp.int32, mask_ref.shape, 1)
    mask_ref[:, :] = jnp.where(pos <= eff1, jnp.int32(1), jnp.int32(0))


@jax.jit
def kernel(tokens, lengths):
    mesh = plsc.VectorSubcoreMesh(
        core_axis_name="c", subcore_axis_name="s",
        num_cores=NC, num_subcores=NS)
    words_fn = pl.kernel(
        _words_body,
        out_type=jax.ShapeDtypeStruct((B, SEQ), jnp.int32),
        mesh=mesh,
        scratch_types=[
            pltpu.VMEM((ROWS_PER_W + 8, SEQ), jnp.int32),
            pltpu.VMEM((ROWS_PER_W, SEQ), jnp.int32),
            pltpu.VMEM((ROWS_PER_W,), jnp.int32),
            pltpu.VMEM((ROWS_PER_W, 16), jnp.int32),
            pltpu.SemaphoreType.DMA((NQ,)),
            pltpu.SemaphoreType.DMA((NQ,)),
        ],
        compiler_params=pltpu.CompilerParams(needs_layout_passes=False),
    )
    word_ids = words_fn(tokens, lengths)

    mask = pl.pallas_call(
        _mask_body,
        out_shape=jax.ShapeDtypeStruct((B, SEQ), jnp.int32),
        grid=(4,),
        in_specs=[pl.BlockSpec((B // 4, 1), lambda i: (i, 0))],
        out_specs=pl.BlockSpec((B // 4, SEQ), lambda i: (i, 0)),
    )(lengths.reshape(B, 1))
    return word_ids, mask

# --- scband reference (transcript-rebuilt; emitter-appended) ---
"""Pipeline reference for scband-distil-bert-pack-inputs-91293824844192 (READ-ONLY COPY).

The authoritative reference and input builder live on the scoring server;
editing this copy changes nothing except your own understanding.
"""

import jax, jax.numpy as jnp
import numpy as np

SEQ_LENGTH = 512
CLS_ID = 101
SEP_ID = 102
PAD_ID = 0


def setup_inputs(seed: int = 0) -> dict:
    key = jax.random.key(seed)
    k1, k2 = jax.random.split(key)
    # 'tokens' holds the values of the ragged input segment, padded to max row length;
    # 'lengths' gives the true ragged row length of each example.
    tokens = jax.random.randint(k1, (1024, 512), 0, 30522, dtype=jnp.int32)
    lengths = jax.random.randint(k2, (1024,), 0, 512, dtype=jnp.int32)
    return {"tokens": tokens, "lengths": lengths}


def reference(tokens, lengths):
    """Faithful single-segment DistilBertPackInputs (round_robin truncator).

    With one input segment, round_robin truncation reduces each row to at most
    seq_length - num_special_tokens = seq_length - 2 tokens. Then the packed
    sequence is [CLS] tok_0 ... tok_{n-1} [SEP] PAD ... PAD, and input_mask is
    1 on all non-PAD positions.
    """
    B, L = tokens.shape
    seq_length = SEQ_LENGTH
    trim_budget = seq_length - 2  # one segment + CLS + SEP
    eff = jnp.minimum(lengths, trim_budget).astype(jnp.int32)  # [B]

    pos = jnp.arange(seq_length, dtype=jnp.int32)[None, :]  # [1, S]
    # token placed at position j (1 <= j <= eff) is tokens[:, j-1]
    gather_idx = jnp.clip(pos - 1, 0, L - 1)
    gathered = jnp.take_along_axis(tokens, jnp.broadcast_to(gather_idx, (B, seq_length)), axis=1)

    eff_b = eff[:, None]  # [B, 1]
    input_word_ids = jnp.where(
        pos == 0,
        jnp.int32(CLS_ID),
        jnp.where(
            pos <= eff_b,
            gathered,
            jnp.where(pos == eff_b + 1, jnp.int32(SEP_ID), jnp.int32(PAD_ID)),
        ),
    ).astype(jnp.int32)
    input_mask = (pos <= eff_b + 1).astype(jnp.int32)
    return input_word_ids, input_mask

if __name__ == "__main__":
    import jax
    _d = setup_inputs()
    print(jax.jit(kernel)(*tuple(_d.values())))

</pallas_src>

<mosaic_0001>
#map = affine_map<(d0, d1) -> (0, 0)>
#map1 = affine_map<(d0, d1) -> (0)>
module attributes {stable_mosaic.version = 14 : i64} {
  func.func @_words_body(%arg0: i32, %arg1: i32, %arg2: memref<1024x512xi32, #tpu.memory_space<hbm>>, %arg3: memref<1024xi32, #tpu.memory_space<hbm>>, %arg4: memref<1024x512xi32, #tpu.memory_space<hbm>>, %arg5: memref<40x512xi32, #tpu.memory_space<vmem>>, %arg6: memref<32x512xi32, #tpu.memory_space<vmem>>, %arg7: memref<32xi32, #tpu.memory_space<vmem>>, %arg8: memref<32x16xi32, #tpu.memory_space<vmem>>, %arg9: memref<4x!tpu.dma_semaphore, #tpu.memory_space<semaphore_mem>>, %arg10: memref<4x!tpu.dma_semaphore, #tpu.memory_space<semaphore_mem>>) attributes {dimension_semantics = [#tpu.dimension_semantics<core_parallel>, #tpu.dimension_semantics<subcore_parallel>], iteration_bounds = array<i64: 2, 16>, scalar_prefetch = 0 : i64, scratch_operands = 6 : i64, tpu.core_type = #tpu.core_type<sc_vector_subcore>, window_params = [{transform_indices = #map}, {transform_indices = #map1}, {transform_indices = #map}]} {
    %mul3A = arith.constant 2 : i32
    %mul3A_0 = arith.muli %arg1, %mul3A : i32
    %add3A = arith.addi %mul3A_0, %arg0 : i32
    %mul3A_1 = arith.constant 32 : i32
    %mul3A_2 = arith.muli %add3A, %mul3A_1 : i32
    %add3A_3 = arith.constant 0 : i32
    %add3A_4 = arith.addi %mul3A_2, %add3A_3 : i32
    %dma_start3A = arith.constant 0 : i32
    %dma_start3A_5 = arith.constant 8 : i32
    %dma_start3A_6 = arith.constant 0 : i32
    %dma_start3A_7 = tpu.memref_slice %arg5[%dma_start3A_5, %dma_start3A_6] : memref<40x512xi32, #tpu.memory_space<vmem>> -> memref<8x512xi32, #tpu.memory_space<vmem>>
    %dma_start3A_8 = arith.constant 0 : i32
    %dma_start3A_9 = tpu.memref_slice %arg2[%add3A_4, %dma_start3A_8] : memref<1024x512xi32, #tpu.memory_space<hbm>> -> memref<8x512xi32, #tpu.memory_space<hbm>>
    %dma_start3A_10 = tpu.memref_slice %arg9[%dma_start3A] : memref<4x!tpu.dma_semaphore, #tpu.memory_space<semaphore_mem>> -> memref<1x!tpu.dma_semaphore, #tpu.memory_space<semaphore_mem>>
    %dma_start3A_11 = tpu.memref_squeeze %dma_start3A_10 : memref<1x!tpu.dma_semaphore, #tpu.memory_space<semaphore_mem>> -> memref<!tpu.dma_semaphore, #tpu.memory_space<semaphore_mem>>
    %dma_start3A_12 = arith.constant 8 : i32
    %dma_start3A_13 = arith.constant 0 : i32
    %dma_start3A_14 = tpu.memref_slice %arg5[%dma_start3A_12, %dma_start3A_13] : memref<40x512xi32, #tpu.memory_space<vmem>> -> memref<8x512xi32, #tpu.memory_space<vmem>>
    %dma_start3A_15 = arith.constant 0 : i32
    %dma_start3A_16 = tpu.memref_slice %arg2[%add3A_4, %dma_start3A_15] : memref<1024x512xi32, #tpu.memory_space<hbm>> -> memref<8x512xi32, #tpu.memory_space<hbm>>
    tpu.enqueue_dma source(%dma_start3A_16 : memref<8x512xi32, #tpu.memory_space<hbm>>) target(%dma_start3A_14 : memref<8x512xi32, #tpu.memory_space<vmem>>) target_semaphore(%dma_start3A_11 : memref<!tpu.dma_semaphore, #tpu.memory_space<semaphore_mem>>)
    %add3A_17 = arith.constant 8 : i32
    %add3A_18 = arith.addi %mul3A_2, %add3A_17 : i32
    %dma_start3A_19 = arith.constant 1 : i32
    %dma_start3A_20 = arith.constant 16 : i32
    %dma_start3A_21 = arith.constant 0 : i32
    %dma_start3A_22 = tpu.memref_slice %arg5[%dma_start3A_20, %dma_start3A_21] : memref<40x512xi32, #tpu.memory_space<vmem>> -> memref<8x512xi32, #tpu.memory_space<vmem>>
    %dma_start3A_23 = arith.constant 0 : i32
    %dma_start3A_24 = tpu.memref_slice %arg2[%add3A_18, %dma_start3A_23] : memref<1024x512xi32, #tpu.memory_space<hbm>> -> memref<8x512xi32, #tpu.memory_space<hbm>>
    %dma_start3A_25 = tpu.memref_slice %arg9[%dma_start3A_19] : memref<4x!tpu.dma_semaphore, #tpu.memory_space<semaphore_mem>> -> memref<1x!tpu.dma_semaphore, #tpu.memory_space<semaphore_mem>>
    %dma_start3A_26 = tpu.memref_squeeze %dma_start3A_25 : memref<1x!tpu.dma_semaphore, #tpu.memory_space<semaphore_mem>> -> memref<!tpu.dma_semaphore, #tpu.memory_space<semaphore_mem>>
    %dma_start3A_27 = arith.constant 16 : i32
    %dma_start3A_28 = arith.constant 0 : i32
    %dma_start3A_29 = tpu.memref_slice %arg5[%dma_start3A_27, %dma_start3A_28] : memref<40x512xi32, #tpu.memory_space<vmem>> -> memref<8x512xi32, #tpu.memory_space<vmem>>
    %dma_start3A_30 = arith.constant 0 : i32
    %dma_start3A_31 = tpu.memref_slice %arg2[%add3A_18, %dma_start3A_30] : memref<1024x512xi32, #tpu.memory_space<hbm>> -> memref<8x512xi32, #tpu.memory_space<hbm>>
    tpu.enqueue_dma source(%dma_start3A_31 : memref<8x512xi32, #tpu.memory_space<hbm>>) target(%dma_start3A_29 : memref<8x512xi32, #tpu.memory_space<vmem>>) target_semaphore(%dma_start3A_26 : memref<!tpu.dma_semaphore, #tpu.memory_space<semaphore_mem>>)
    %add3A_32 = arith.constant 16 : i32
    %add3A_33 = arith.addi %mul3A_2, %add3A_32 : i32
    %dma_start3A_34 = arith.constant 2 : i32
    %dma_start3A_35 = arith.constant 24 : i32
    %dma_start3A_36 = arith.constant 0 : i32
    %dma_start3A_37 = tpu.memref_slice %arg5[%dma_start3A_35, %dma_start3A_36] : memref<40x512xi32, #tpu.memory_space<vmem>> -> memref<8x512xi32, #tpu.memory_space<vmem>>
    %dma_start3A_38 = arith.constant 0 : i32
    %dma_start3A_39 = tpu.memref_slice %arg2[%add3A_33, %dma_start3A_38] : memref<1024x512xi32, #tpu.memory_space<hbm>> -> memref<8x512xi32, #tpu.memory_space<hbm>>
    %dma_start3A_40 = tpu.memref_slice %arg9[%dma_start3A_34] : memref<4x!tpu.dma_semaphore, #tpu.memory_space<semaphore_mem>> -> memref<1x!tpu.dma_semaphore, #tpu.memory_space<semaphore_mem>>
    %dma_start3A_41 = tpu.memref_squeeze %dma_start3A_40 : memref<1x!tpu.dma_semaphore, #tpu.memory_space<semaphore_mem>> -> memref<!tpu.dma_semaphore, #tpu.memory_space<semaphore_mem>>
    %dma_start3A_42 = arith.constant 24 : i32
    %dma_start3A_43 = arith.constant 0 : i32
    %dma_start3A_44 = tpu.memref_slice %arg5[%dma_start3A_42, %dma_start3A_43] : memref<40x512xi32, #tpu.memory_space<vmem>> -> memref<8x512xi32, #tpu.memory_space<vmem>>
    %dma_start3A_45 = arith.constant 0 : i32
    %dma_start3A_46 = tpu.memref_slice %arg2[%add3A_33, %dma_start3A_45] : memref<1024x512xi32, #tpu.memory_space<hbm>> -> memref<8x512xi32, #tpu.memory_space<hbm>>
    tpu.enqueue_dma source(%dma_start3A_46 : memref<8x512xi32, #tpu.memory_space<hbm>>) target(%dma_start3A_44 : memref<8x512xi32, #tpu.memory_space<vmem>>) target_semaphore(%dma_start3A_41 : memref<!tpu.dma_semaphore, #tpu.memory_space<semaphore_mem>>)
    %add3A_47 = arith.constant 24 : i32
    %add3A_48 = arith.addi %mul3A_2, %add3A_47 : i32
    %dma_start3A_49 = arith.constant 3 : i32
    %dma_start3A_50 = arith.constant 32 : i32
    %dma_start3A_51 = arith.constant 0 : i32
    %dma_start3A_52 = tpu.memref_slice %arg5[%dma_start3A_50, %dma_start3A_51] : memref<40x512xi32, #tpu.memory_space<vmem>> -> memref<8x512xi32, #tpu.memory_space<vmem>>
    %dma_start3A_53 = arith.constant 0 : i32
    %dma_start3A_54 = tpu.memref_slice %arg2[%add3A_48, %dma_start3A_53] : memref<1024x512xi32, #tpu.memory_space<hbm>> -> memref<8x512xi32, #tpu.memory_space<hbm>>
    %dma_start3A_55 = tpu.memref_slice %arg9[%dma_start3A_49] : memref<4x!tpu.dma_semaphore, #tpu.memory_space<semaphore_mem>> -> memref<1x!tpu.dma_semaphore, #tpu.memory_space<semaphore_mem>>
    %dma_start3A_56 = tpu.memref_squeeze %dma_start3A_55 : memref<1x!tpu.dma_semaphore, #tpu.memory_space<semaphore_mem>> -> memref<!tpu.dma_semaphore, #tpu.memory_space<semaphore_mem>>
    %dma_start3A_57 = arith.constant 32 : i32
    %dma_start3A_58 = arith.constant 0 : i32
    %dma_start3A_59 = tpu.memref_slice %arg5[%dma_start3A_57, %dma_start3A_58] : memref<40x512xi32, #tpu.memory_space<vmem>> -> memref<8x512xi32, #tpu.memory_space<vmem>>
    %dma_start3A_60 = arith.constant 0 : i32
    %dma_start3A_61 = tpu.memref_slice %arg2[%add3A_48, %dma_start3A_60] : memref<1024x512xi32, #tpu.memory_space<hbm>> -> memref<8x512xi32, #tpu.memory_space<hbm>>
    tpu.enqueue_dma source(%dma_start3A_61 : memref<8x512xi32, #tpu.memory_space<hbm>>) target(%dma_start3A_59 : memref<8x512xi32, #tpu.memory_space<vmem>>) target_semaphore(%dma_start3A_56 : memref<!tpu.dma_semaphore, #tpu.memory_space<semaphore_mem>>)
    "tpu.region"() ({
      %run_scoped3A = tpu.sem_alloc : memref<!tpu.dma_semaphore, #tpu.memory_space<semaphore_mem>>
      %dma_start3A_285 = tpu.memref_slice %arg3[%mul3A_2] : memref<1024xi32, #tpu.memory_space<hbm>> -> memref<32xi32, #tpu.memory_space<hbm>>
      %dma_start3A_286 = tpu.memref_slice %arg3[%mul3A_2] : memref<1024xi32, #tpu.memory_space<hbm>> -> memref<32xi32, #tpu.memory_space<hbm>>
      tpu.enqueue_dma source(%dma_start3A_286 : memref<32xi32, #tpu.memory_space<hbm>>) target(%arg7 : memref<32xi32, #tpu.memory_space<vmem>>) target_semaphore(%run_scoped3A : memref<!tpu.dma_semaphore, #tpu.memory_space<semaphore_mem>>)
      %dma_wait3A_287 = tpu.memref_slice %arg3[%mul3A_2] : memref<1024xi32, #tpu.memory_space<hbm>> -> memref<32xi32, #tpu.memory_space<hbm>>
      %dma_wait3A_288 = tpu.memref_slice %arg3[%mul3A_2] : memref<1024xi32, #tpu.memory_space<hbm>> -> memref<32xi32, #tpu.memory_space<hbm>>
      tpu.wait_dma2 semaphore(%run_scoped3A : memref<!tpu.dma_semaphore, #tpu.memory_space<semaphore_mem>>) src(%dma_wait3A_288 : memref<32xi32, #tpu.memory_space<hbm>>) dst(%arg7 : memref<32xi32, #tpu.memory_space<vmem>>)
      tpu.yield
    }) : () -> ()
    %iota3A = tpu.iota {dimensions = array<i32: 0>} : vector<16xi32>
    %sub3A = arith.constant 1 : i32
    %sub3A_62 = vector.broadcast %sub3A : i32 to vector<16xi32>
    %sub3A_63 = arith.subi %iota3A, %sub3A_62 : vector<16xi32>
    %eq3A = arith.constant 0 : i32
    %eq3A_64 = vector.broadcast %eq3A : i32 to vector<16xi32>
    %eq3A_65 = arith.cmpi eq, %iota3A, %eq3A_64 : vector<16xi32>
    %broadcast_in_dim3A = arith.constant 101 : i32
    %broadcast_in_dim3A_66 = vector.broadcast %broadcast_in_dim3A : i32 to vector<16xi32>
    %broadcast_in_dim3A_67 = arith.constant 0 : i32
    %broadcast_in_dim3A_68 = vector.broadcast %broadcast_in_dim3A_67 : i32 to vector<16xi32>
    %scan3A = arith.constant 0 : i32
    %scan3A_69 = arith.constant 0 : i32
    %scan3A_70 = arith.constant 32 : i32
    %scan3A_71 = arith.addi %scan3A_69, %scan3A_70 : i32
    %scan3A_72 = arith.constant 1 : i32
    %scan3A_73 = scf.for %scan3A_285 = %scan3A_69 to %scan3A_71 step %scan3A_72 iter_args(%scan3A_286 = %scan3A) -> (i32)  : i32 {
      %broadcast_in_dim3A_287 = vector.broadcast %scan3A_285 : i32 to vector<16xi32>
      %gather3A = tpu.vector_load_idx %arg7[%broadcast_in_dim3A_287] : memref<32xi32, #tpu.memory_space<vmem>>[vector<16xi32>], vector<16xi32>,
      %min3A = arith.constant 510 : i32
      %min3A_288 = vector.broadcast %min3A : i32 to vector<16xi32>
      %min3A_289 = arith.minsi %gather3A, %min3A_288 : vector<16xi32>
      %add3A_290 = arith.constant 1 : i32
      %add3A_291 = vector.broadcast %add3A_290 : i32 to vector<16xi32>
      %add3A_292 = arith.addi %min3A_289, %add3A_291 : vector<16xi32>
      %swap3A = arith.index_cast %scan3A_285 : i32 to index
      %swap3A_293 = arith.constant 0 : index
      %swap3A_294 = tpu.vector_load %arg8[%swap3A, %swap3A_293] {strides = array<i32>} : memref<32x16xi32, #tpu.memory_space<vmem>>, vector<16xi32>,
      tpu.vector_store %arg8[%swap3A, %swap3A_293], %add3A_292 {strides = array<i32>} : memref<32x16xi32, #tpu.memory_space<vmem>>, vector<16xi32>,
      %scan3A_295 = arith.constant 0 : i32
      scf.yield %scan3A_295 : i32
    }
    %scan3A_74 = arith.constant 32 : i32
    %dma_wait3A = arith.constant 0 : i32
    %dma_wait3A_75 = arith.constant 8 : i32
    %dma_wait3A_76 = arith.constant 0 : i32
    %dma_wait3A_77 = tpu.memref_slice %arg5[%dma_wait3A_75, %dma_wait3A_76] : memref<40x512xi32, #tpu.memory_space<vmem>> -> memref<8x512xi32, #tpu.memory_space<vmem>>
    %dma_wait3A_78 = arith.constant 0 : i32
    %dma_wait3A_79 = tpu.memref_slice %arg2[%add3A_4, %dma_wait3A_78] : memref<1024x512xi32, #tpu.memory_space<hbm>> -> memref<8x512xi32, #tpu.memory_space<hbm>>
    %dma_wait3A_80 = tpu.memref_slice %arg9[%dma_wait3A] : memref<4x!tpu.dma_semaphore, #tpu.memory_space<semaphore_mem>> -> memref<1x!tpu.dma_semaphore, #tpu.memory_space<semaphore_mem>>
    %dma_wait3A_81 = tpu.memref_squeeze %dma_wait3A_80 : memref<1x!tpu.dma_semaphore, #tpu.memory_space<semaphore_mem>> -> memref<!tpu.dma_semaphore, #tpu.memory_space<semaphore_mem>>
    %dma_wait3A_82 = arith.constant 8 : i32
    %dma_wait3A_83 = arith.constant 0 : i32
    %dma_wait3A_84 = tpu.memref_slice %arg5[%dma_wait3A_82, %dma_wait3A_83] : memref<40x512xi32, #tpu.memory_space<vmem>> -> memref<8x512xi32, #tpu.memory_space<vmem>>
    %dma_wait3A_85 = arith.constant 0 : i32
    %dma_wait3A_86 = tpu.memref_slice %arg2[%add3A_4, %dma_wait3A_85] : memref<1024x512xi32, #tpu.memory_space<hbm>> -> memref<8x512xi32, #tpu.memory_space<hbm>>
    tpu.wait_dma2 semaphore(%dma_wait3A_81 : memref<!tpu.dma_semaphore, #tpu.memory_space<semaphore_mem>>) src(%dma_wait3A_86 : memref<8x512xi32, #tpu.memory_space<hbm>>) dst(%dma_wait3A_84 : memref<8x512xi32, #tpu.memory_space<vmem>>)
    %parallel_loop3A = arith.constant 0 : i32
    %parallel_loop3A_87 = arith.constant 256 : i32
    %parallel_loop3A_88 = arith.constant 1 : i32
    %parallel_loop3A_89 = arith.constant 102 : i32
    %parallel_loop3A_90 = arith.constant 0 : i32
    scf.for %parallel_loop3A_285 = %parallel_loop3A to %parallel_loop3A_87 step %parallel_loop3A_88  : i32 {
      %parallel_loop3A_286 = arith.constant 5 : i32
      %parallel_loop3A_287 = arith.shrsi %parallel_loop3A_285, %parallel_loop3A_286 : i32
      %parallel_loop3A_288 = arith.constant 0 : i32
      %parallel_loop3A_289 = arith.addi %parallel_loop3A_288, %parallel_loop3A_287 : i32
      %parallel_loop3A_290 = arith.constant 31 : i32
      %parallel_loop3A_291 = arith.andi %parallel_loop3A_285, %parallel_loop3A_290 : i32
      %parallel_loop3A_292 = arith.constant 16 : i32
      %parallel_loop3A_293 = arith.muli %parallel_loop3A_291, %parallel_loop3A_292 : i32
      %parallel_loop3A_294 = arith.constant 8 : i32
      %parallel_loop3A_295 = arith.addi %parallel_loop3A_289, %parallel_loop3A_294 : i32
      %parallel_loop3A_296 = vector.broadcast %parallel_loop3A_295 : i32 to vector<16xi32>
      %parallel_loop3A_297 = vector.broadcast %parallel_loop3A_293 : i32 to vector<16xi32>
      %parallel_loop3A_298 = arith.addi %iota3A, %parallel_loop3A_297 : vector<16xi32>
      %parallel_loop3A_299 = vector.broadcast %parallel_loop3A_293 : i32 to vector<16xi32>
      %parallel_loop3A_300 = arith.addi %sub3A_63, %parallel_loop3A_299 : vector<16xi32>
      %parallel_loop3A_301 = tpu.vector_load_idx %arg5[%parallel_loop3A_296, %parallel_loop3A_300] : memref<40x512xi32, #tpu.memory_space<vmem>>[vector<16xi32>, vector<16xi32>], vector<16xi32>,
      %parallel_loop3A_302 = arith.index_cast %parallel_loop3A_289 : i32 to index
      %parallel_loop3A_303 = arith.constant 0 : index
      %parallel_loop3A_304 = tpu.vector_load %arg8[%parallel_loop3A_302, %parallel_loop3A_303] {strides = array<i32>} : memref<32x16xi32, #tpu.memory_space<vmem>>, vector<16xi32>,
      %parallel_loop3A_305 = arith.cmpi slt, %parallel_loop3A_298, %parallel_loop3A_304 : vector<16xi32>
      %parallel_loop3A_306 = arith.cmpi eq, %parallel_loop3A_298, %parallel_loop3A_304 : vector<16xi32>
      %parallel_loop3A_307 = vector.broadcast %parallel_loop3A_89 : i32 to vector<16xi32>
      %parallel_loop3A_308 = vector.broadcast %parallel_loop3A_90 : i32 to vector<16xi32>
      %parallel_loop3A_309 = arith.select %parallel_loop3A_306, %parallel_loop3A_307, %parallel_loop3A_308 : vector<16xi1>, vector<16xi32>
      %parallel_loop3A_310 = arith.select %parallel_loop3A_305, %parallel_loop3A_301, %parallel_loop3A_309 : vector<16xi1>, vector<16xi32>
      %parallel_loop3A_311 = arith.index_cast %parallel_loop3A_289 : i32 to index
      %parallel_loop3A_312 = arith.index_cast %parallel_loop3A_293 : i32 to index
      %parallel_loop3A_313 = tpu.vector_load %arg6[%parallel_loop3A_311, %parallel_loop3A_312] {strides = array<i32>} : memref<32x512xi32, #tpu.memory_space<vmem>>, vector<16xi32>,
      tpu.vector_store %arg6[%parallel_loop3A_311, %parallel_loop3A_312], %parallel_loop3A_310 {strides = array<i32>} : memref<32x512xi32, #tpu.memory_space<vmem>>, vector<16xi32>,
    } {sc.loop_unroll_factor = 16 : i64, sc.parallel_access}
    %scan3A_91 = arith.constant 0 : i32
    %scan3A_92 = arith.constant 0 : i32
    %scan3A_93 = arith.constant 8 : i32
    %scan3A_94 = arith.addi %scan3A_92, %scan3A_93 : i32
    %scan3A_95 = arith.constant 1 : i32
    %scan3A_96 = scf.for %scan3A_285 = %scan3A_92 to %scan3A_94 step %scan3A_95 iter_args(%scan3A_286 = %scan3A_91) -> (i32)  : i32 {
      %broadcast_in_dim3A_287 = vector.broadcast %scan3A_285 : i32 to vector<16xi32>
      tpu.vector_store_idx %arg6[%broadcast_in_dim3A_287, %broadcast_in_dim3A_68], %broadcast_in_dim3A_66 masked %eq3A_65 : memref<32x512xi32, #tpu.memory_space<vmem>>[vector<16xi32>, vector<16xi32>], vector<16xi32>, vector<16xi1>
      %scan3A_288 = arith.constant 0 : i32
      scf.yield %scan3A_288 : i32
    }
    %scan3A_97 = arith.constant 8 : i32
    %add3A_98 = arith.constant 0 : i32
    %add3A_99 = arith.addi %mul3A_2, %add3A_98 : i32
    %dma_start3A_100 = arith.constant 0 : i32
    %dma_start3A_101 = arith.constant 0 : i32
    %dma_start3A_102 = arith.constant 0 : i32
    %dma_start3A_103 = tpu.memref_slice %arg6[%dma_start3A_101, %dma_start3A_102] : memref<32x512xi32, #tpu.memory_space<vmem>> -> memref<8x512xi32, #tpu.memory_space<vmem>>
    %dma_start3A_104 = arith.constant 0 : i32
    %dma_start3A_105 = tpu.memref_slice %arg4[%add3A_99, %dma_start3A_104] : memref<1024x512xi32, #tpu.memory_space<hbm>> -> memref<8x512xi32, #tpu.memory_space<hbm>>
    %dma_start3A_106 = tpu.memref_slice %arg10[%dma_start3A_100] : memref<4x!tpu.dma_semaphore, #tpu.memory_space<semaphore_mem>> -> memref<1x!tpu.dma_semaphore, #tpu.memory_space<semaphore_mem>>
    %dma_start3A_107 = tpu.memref_squeeze %dma_start3A_106 : memref<1x!tpu.dma_semaphore, #tpu.memory_space<semaphore_mem>> -> memref<!tpu.dma_semaphore, #tpu.memory_space<semaphore_mem>>
    %dma_start3A_108 = arith.constant 0 : i32
    %dma_start3A_109 = tpu.memref_slice %arg4[%add3A_99, %dma_start3A_108] : memref<1024x512xi32, #tpu.memory_space<hbm>> -> memref<8x512xi32, #tpu.memory_space<hbm>>
    %dma_start3A_110 = arith.constant 0 : i32
    %dma_start3A_111 = arith.constant 0 : i32
    %dma_start3A_112 = tpu.memref_slice %arg6[%dma_start3A_110, %dma_start3A_111] : memref<32x512xi32, #tpu.memory_space<vmem>> -> memref<8x512xi32, #tpu.memory_space<vmem>>
    tpu.enqueue_dma source(%dma_start3A_112 : memref<8x512xi32, #tpu.memory_space<vmem>>) target(%dma_start3A_109 : memref<8x512xi32, #tpu.memory_space<hbm>>) target_semaphore(%dma_start3A_107 : memref<!tpu.dma_semaphore, #tpu.memory_space<semaphore_mem>>)
    %dma_wait3A_113 = arith.constant 1 : i32
    %dma_wait3A_114 = arith.constant 16 : i32
    %dma_wait3A_115 = arith.constant 0 : i32
    %dma_wait3A_116 = tpu.memref_slice %arg5[%dma_wait3A_114, %dma_wait3A_115] : memref<40x512xi32, #tpu.memory_space<vmem>> -> memref<8x512xi32, #tpu.memory_space<vmem>>
    %dma_wait3A_117 = arith.constant 0 : i32
    %dma_wait3A_118 = tpu.memref_slice %arg2[%add3A_18, %dma_wait3A_117] : memref<1024x512xi32, #tpu.memory_space<hbm>> -> memref<8x512xi32, #tpu.memory_space<hbm>>
    %dma_wait3A_119 = tpu.memref_slice %arg9[%dma_wait3A_113] : memref<4x!tpu.dma_semaphore, #tpu.memory_space<semaphore_mem>> -> memref<1x!tpu.dma_semaphore, #tpu.memory_space<semaphore_mem>>
    %dma_wait3A_120 = tpu.memref_squeeze %dma_wait3A_119 : memref<1x!tpu.dma_semaphore, #tpu.memory_space<semaphore_mem>> -> memref<!tpu.dma_semaphore, #tpu.memory_space<semaphore_mem>>
    %dma_wait3A_121 = arith.constant 16 : i32
    %dma_wait3A_122 = arith.constant 0 : i32
    %dma_wait3A_123 = tpu.memref_slice %arg5[%dma_wait3A_121, %dma_wait3A_122] : memref<40x512xi32, #tpu.memory_space<vmem>> -> memref<8x512xi32, #tpu.memory_space<vmem>>
    %dma_wait3A_124 = arith.constant 0 : i32
    %dma_wait3A_125 = tpu.memref_slice %arg2[%add3A_18, %dma_wait3A_124] : memref<1024x512xi32, #tpu.memory_space<hbm>> -> memref<8x512xi32, #tpu.memory_space<hbm>>
    tpu.wait_dma2 semaphore(%dma_wait3A_120 : memref<!tpu.dma_semaphore, #tpu.memory_space<semaphore_mem>>) src(%dma_wait3A_125 : memref<8x512xi32, #tpu.memory_space<hbm>>) dst(%dma_wait3A_123 : memref<8x512xi32, #tpu.memory_space<vmem>>)
    %parallel_loop3A_126 = arith.constant 0 : i32
    %parallel_loop3A_127 = arith.constant 256 : i32
    %parallel_loop3A_128 = arith.constant 1 : i32
    %parallel_loop3A_129 = arith.constant 102 : i32
    %parallel_loop3A_130 = arith.constant 0 : i32
    scf.for %parallel_loop3A_285 = %parallel_loop3A_126 to %parallel_loop3A_127 step %parallel_loop3A_128  : i32 {
      %parallel_loop3A_286 = arith.constant 5 : i32
      %parallel_loop3A_287 = arith.shrsi %parallel_loop3A_285, %parallel_loop3A_286 : i32
      %parallel_loop3A_288 = arith.constant 8 : i32
      %parallel_loop3A_289 = arith.addi %parallel_loop3A_288, %parallel_loop3A_287 : i32
      %parallel_loop3A_290 = arith.constant 31 : i32
      %parallel_loop3A_291 = arith.andi %parallel_loop3A_285, %parallel_loop3A_290 : i32
      %parallel_loop3A_292 = arith.constant 16 : i32
      %parallel_loop3A_293 = arith.muli %parallel_loop3A_291, %parallel_loop3A_292 : i32
      %parallel_loop3A_294 = arith.constant 8 : i32
      %parallel_loop3A_295 = arith.addi %parallel_loop3A_289, %parallel_loop3A_294 : i32
      %parallel_loop3A_296 = vector.broadcast %parallel_loop3A_295 : i32 to vector<16xi32>
      %parallel_loop3A_297 = vector.broadcast %parallel_loop3A_293 : i32 to vector<16xi32>
      %parallel_loop3A_298 = arith.addi %iota3A, %parallel_loop3A_297 : vector<16xi32>
      %parallel_loop3A_299 = vector.broadcast %parallel_loop3A_293 : i32 to vector<16xi32>
      %parallel_loop3A_300 = arith.addi %sub3A_63, %parallel_loop3A_299 : vector<16xi32>
      %parallel_loop3A_301 = tpu.vector_load_idx %arg5[%parallel_loop3A_296, %parallel_loop3A_300] : memref<40x512xi32, #tpu.memory_space<vmem>>[vector<16xi32>, vector<16xi32>], vector<16xi32>,
      %parallel_loop3A_302 = arith.index_cast %parallel_loop3A_289 : i32 to index
      %parallel_loop3A_303 = arith.constant 0 : index
      %parallel_loop3A_304 = tpu.vector_load %arg8[%parallel_loop3A_302, %parallel_loop3A_303] {strides = array<i32>} : memref<32x16xi32, #tpu.memory_space<vmem>>, vector<16xi32>,
      %parallel_loop3A_305 = arith.cmpi slt, %parallel_loop3A_298, %parallel_loop3A_304 : vector<16xi32>
      %parallel_loop3A_306 = arith.cmpi eq, %parallel_loop3A_298, %parallel_loop3A_304 : vector<16xi32>
      %parallel_loop3A_307 = vector.broadcast %parallel_loop3A_129 : i32 to vector<16xi32>
      %parallel_loop3A_308 = vector.broadcast %parallel_loop3A_130 : i32 to vector<16xi32>
      %parallel_loop3A_309 = arith.select %parallel_loop3A_306, %parallel_loop3A_307, %parallel_loop3A_308 : vector<16xi1>, vector<16xi32>
      %parallel_loop3A_310 = arith.select %parallel_loop3A_305, %parallel_loop3A_301, %parallel_loop3A_309 : vector<16xi1>, vector<16xi32>
      %parallel_loop3A_311 = arith.index_cast %parallel_loop3A_289 : i32 to index
      %parallel_loop3A_312 = arith.index_cast %parallel_loop3A_293 : i32 to index
      %parallel_loop3A_313 = tpu.vector_load %arg6[%parallel_loop3A_311, %parallel_loop3A_312] {strides = array<i32>} : memref<32x512xi32, #tpu.memory_space<vmem>>, vector<16xi32>,
      tpu.vector_store %arg6[%parallel_loop3A_311, %parallel_loop3A_312], %parallel_loop3A_310 {strides = array<i32>} : memref<32x512xi32, #tpu.memory_space<vmem>>, vector<16xi32>,
    } {sc.loop_unroll_factor = 16 : i64, sc.parallel_access}
    %scan3A_131 = arith.constant 0 : i32
    %scan3A_132 = arith.constant 8 : i32
    %scan3A_133 = arith.constant 8 : i32
    %scan3A_134 = arith.addi %scan3A_132, %scan3A_133 : i32
    %scan3A_135 = arith.constant 1 : i32
    %scan3A_136 = scf.for %scan3A_285 = %scan3A_132 to %scan3A_134 step %scan3A_135 iter_args(%scan3A_286 = %scan3A_131) -> (i32)  : i32 {
      %broadcast_in_dim3A_287 = vector.broadcast %scan3A_285 : i32 to vector<16xi32>
      tpu.vector_store_idx %arg6[%broadcast_in_dim3A_287, %broadcast_in_dim3A_68], %broadcast_in_dim3A_66 masked %eq3A_65 : memref<32x512xi32, #tpu.memory_space<vmem>>[vector<16xi32>, vector<16xi32>], vector<16xi32>, vector<16xi1>
      %scan3A_288 = arith.constant 0 : i32
      scf.yield %scan3A_288 : i32
    }
    %scan3A_137 = arith.constant 8 : i32
    %add3A_138 = arith.constant 8 : i32
    %add3A_139 = arith.addi %mul3A_2, %add3A_138 : i32
    %dma_start3A_140 = arith.constant 1 : i32
    %dma_start3A_141 = arith.constant 8 : i32
    %dma_start3A_142 = arith.constant 0 : i32
    %dma_start3A_143 = tpu.memref_slice %arg6[%dma_start3A_141, %dma_start3A_142] : memref<32x512xi32, #tpu.memory_space<vmem>> -> memref<8x512xi32, #tpu.memory_space<vmem>>
    %dma_start3A_144 = arith.constant 0 : i32
    %dma_start3A_145 = tpu.memref_slice %arg4[%add3A_139, %dma_start3A_144] : memref<1024x512xi32, #tpu.memory_space<hbm>> -> memref<8x512xi32, #tpu.memory_space<hbm>>
    %dma_start3A_146 = tpu.memref_slice %arg10[%dma_start3A_140] : memref<4x!tpu.dma_semaphore, #tpu.memory_space<semaphore_mem>> -> memref<1x!tpu.dma_semaphore, #tpu.memory_space<semaphore_mem>>
    %dma_start3A_147 = tpu.memref_squeeze %dma_start3A_146 : memref<1x!tpu.dma_semaphore, #tpu.memory_space<semaphore_mem>> -> memref<!tpu.dma_semaphore, #tpu.memory_space<semaphore_mem>>
    %dma_start3A_148 = arith.constant 0 : i32
    %dma_start3A_149 = tpu.memref_slice %arg4[%add3A_139, %dma_start3A_148] : memref<1024x512xi32, #tpu.memory_space<hbm>> -> memref<8x512xi32, #tpu.memory_space<hbm>>
    %dma_start3A_150 = arith.constant 8 : i32
    %dma_start3A_151 = arith.constant 0 : i32
    %dma_start3A_152 = tpu.memref_slice %arg6[%dma_start3A_150, %dma_start3A_151] : memref<32x512xi32, #tpu.memory_space<vmem>> -> memref<8x512xi32, #tpu.memory_space<vmem>>
    tpu.enqueue_dma source(%dma_start3A_152 : memref<8x512xi32, #tpu.memory_space<vmem>>) target(%dma_start3A_149 : memref<8x512xi32, #tpu.memory_space<hbm>>) target_semaphore(%dma_start3A_147 : memref<!tpu.dma_semaphore, #tpu.memory_space<semaphore_mem>>)
    %dma_wait3A_153 = arith.constant 2 : i32
    %dma_wait3A_154 = arith.constant 24 : i32
    %dma_wait3A_155 = arith.constant 0 : i32
    %dma_wait3A_156 = tpu.memref_slice %arg5[%dma_wait3A_154, %dma_wait3A_155] : memref<40x512xi32, #tpu.memory_space<vmem>> -> memref<8x512xi32, #tpu.memory_space<vmem>>
    %dma_wait3A_157 = arith.constant 0 : i32
    %dma_wait3A_158 = tpu.memref_slice %arg2[%add3A_33, %dma_wait3A_157] : memref<1024x512xi32, #tpu.memory_space<hbm>> -> memref<8x512xi32, #tpu.memory_space<hbm>>
    %dma_wait3A_159 = tpu.memref_slice %arg9[%dma_wait3A_153] : memref<4x!tpu.dma_semaphore, #tpu.memory_space<semaphore_mem>> -> memref<1x!tpu.dma_semaphore, #tpu.memory_space<semaphore_mem>>
    %dma_wait3A_160 = tpu.memref_squeeze %dma_wait3A_159 : memref<1x!tpu.dma_semaphore, #tpu.memory_space<semaphore_mem>> -> memref<!tpu.dma_semaphore, #tpu.memory_space<semaphore_mem>>
    %dma_wait3A_161 = arith.constant 24 : i32
    %dma_wait3A_162 = arith.constant 0 : i32
    %dma_wait3A_163 = tpu.memref_slice %arg5[%dma_wait3A_161, %dma_wait3A_162] : memref<40x512xi32, #tpu.memory_space<vmem>> -> memref<8x512xi32, #tpu.memory_space<vmem>>
    %dma_wait3A_164 = arith.constant 0 : i32
    %dma_wait3A_165 = tpu.memref_slice %arg2[%add3A_33, %dma_wait3A_164] : memref<1024x512xi32, #tpu.memory_space<hbm>> -> memref<8x512xi32, #tpu.memory_space<hbm>>
    tpu.wait_dma2 semaphore(%dma_wait3A_160 : memref<!tpu.dma_semaphore, #tpu.memory_space<semaphore_mem>>) src(%dma_wait3A_165 : memref<8x512xi32, #tpu.memory_space<hbm>>) dst(%dma_wait3A_163 : memref<8x512xi32, #tpu.memory_space<vmem>>)
    %parallel_loop3A_166 = arith.constant 0 : i32
    %parallel_loop3A_167 = arith.constant 256 : i32
    %parallel_loop3A_168 = arith.constant 1 : i32
    %parallel_loop3A_169 = arith.constant 102 : i32
    %parallel_loop3A_170 = arith.constant 0 : i32
    scf.for %parallel_loop3A_285 = %parallel_loop3A_166 to %parallel_loop3A_167 step %parallel_loop3A_168  : i32 {
      %parallel_loop3A_286 = arith.constant 5 : i32
      %parallel_loop3A_287 = arith.shrsi %parallel_loop3A_285, %parallel_loop3A_286 : i32
      %parallel_loop3A_288 = arith.constant 16 : i32
      %parallel_loop3A_289 = arith.addi %parallel_loop3A_288, %parallel_loop3A_287 : i32
      %parallel_loop3A_290 = arith.constant 31 : i32
      %parallel_loop3A_291 = arith.andi %parallel_loop3A_285, %parallel_loop3A_290 : i32
      %parallel_loop3A_292 = arith.constant 16 : i32
      %parallel_loop3A_293 = arith.muli %parallel_loop3A_291, %parallel_loop3A_292 : i32
      %parallel_loop3A_294 = arith.constant 8 : i32
      %parallel_loop3A_295 = arith.addi %parallel_loop3A_289, %parallel_loop3A_294 : i32
      %parallel_loop3A_296 = vector.broadcast %parallel_loop3A_295 : i32 to vector<16xi32>
      %parallel_loop3A_297 = vector.broadcast %parallel_loop3A_293 : i32 to vector<16xi32>
      %parallel_loop3A_298 = arith.addi %iota3A, %parallel_loop3A_297 : vector<16xi32>
      %parallel_loop3A_299 = vector.broadcast %parallel_loop3A_293 : i32 to vector<16xi32>
      %parallel_loop3A_300 = arith.addi %sub3A_63, %parallel_loop3A_299 : vector<16xi32>
      %parallel_loop3A_301 = tpu.vector_load_idx %arg5[%parallel_loop3A_296, %parallel_loop3A_300] : memref<40x512xi32, #tpu.memory_space<vmem>>[vector<16xi32>, vector<16xi32>], vector<16xi32>,
      %parallel_loop3A_302 = arith.index_cast %parallel_loop3A_289 : i32 to index
      %parallel_loop3A_303 = arith.constant 0 : index
      %parallel_loop3A_304 = tpu.vector_load %arg8[%parallel_loop3A_302, %parallel_loop3A_303] {strides = array<i32>} : memref<32x16xi32, #tpu.memory_space<vmem>>, vector<16xi32>,
      %parallel_loop3A_305 = arith.cmpi slt, %parallel_loop3A_298, %parallel_loop3A_304 : vector<16xi32>
      %parallel_loop3A_306 = arith.cmpi eq, %parallel_loop3A_298, %parallel_loop3A_304 : vector<16xi32>
      %parallel_loop3A_307 = vector.broadcast %parallel_loop3A_169 : i32 to vector<16xi32>
      %parallel_loop3A_308 = vector.broadcast %parallel_loop3A_170 : i32 to vector<16xi32>
      %parallel_loop3A_309 = arith.select %parallel_loop3A_306, %parallel_loop3A_307, %parallel_loop3A_308 : vector<16xi1>, vector<16xi32>
      %parallel_loop3A_310 = arith.select %parallel_loop3A_305, %parallel_loop3A_301, %parallel_loop3A_309 : vector<16xi1>, vector<16xi32>
      %parallel_loop3A_311 = arith.index_cast %parallel_loop3A_289 : i32 to index
      %parallel_loop3A_312 = arith.index_cast %parallel_loop3A_293 : i32 to index
      %parallel_loop3A_313 = tpu.vector_load %arg6[%parallel_loop3A_311, %parallel_loop3A_312] {strides = array<i32>} : memref<32x512xi32, #tpu.memory_space<vmem>>, vector<16xi32>,
      tpu.vector_store %arg6[%parallel_loop3A_311, %parallel_loop3A_312], %parallel_loop3A_310 {strides = array<i32>} : memref<32x512xi32, #tpu.memory_space<vmem>>, vector<16xi32>,
    } {sc.loop_unroll_factor = 16 : i64, sc.parallel_access}
    %scan3A_171 = arith.constant 0 : i32
    %scan3A_172 = arith.constant 16 : i32
    %scan3A_173 = arith.constant 8 : i32
    %scan3A_174 = arith.addi %scan3A_172, %scan3A_173 : i32
    %scan3A_175 = arith.constant 1 : i32
    %scan3A_176 = scf.for %scan3A_285 = %scan3A_172 to %scan3A_174 step %scan3A_175 iter_args(%scan3A_286 = %scan3A_171) -> (i32)  : i32 {
      %broadcast_in_dim3A_287 = vector.broadcast %scan3A_285 : i32 to vector<16xi32>
      tpu.vector_store_idx %arg6[%broadcast_in_dim3A_287, %broadcast_in_dim3A_68], %broadcast_in_dim3A_66 masked %eq3A_65 : memref<32x512xi32, #tpu.memory_space<vmem>>[vector<16xi32>, vector<16xi32>], vector<16xi32>, vector<16xi1>
      %scan3A_288 = arith.constant 0 : i32
      scf.yield %scan3A_288 : i32
    }
    %scan3A_177 = arith.constant 8 : i32
    %add3A_178 = arith.constant 16 : i32
    %add3A_179 = arith.addi %mul3A_2, %add3A_178 : i32
    %dma_start3A_180 = arith.constant 2 : i32
    %dma_start3A_181 = arith.constant 16 : i32
    %dma_start3A_182 = arith.constant 0 : i32
    %dma_start3A_183 = tpu.memref_slice %arg6[%dma_start3A_181, %dma_start3A_182] : memref<32x512xi32, #tpu.memory_space<vmem>> -> memref<8x512xi32, #tpu.memory_space<vmem>>
    %dma_start3A_184 = arith.constant 0 : i32
    %dma_start3A_185 = tpu.memref_slice %arg4[%add3A_179, %dma_start3A_184] : memref<1024x512xi32, #tpu.memory_space<hbm>> -> memref<8x512xi32, #tpu.memory_space<hbm>>
    %dma_start3A_186 = tpu.memref_slice %arg10[%dma_start3A_180] : memref<4x!tpu.dma_semaphore, #tpu.memory_space<semaphore_mem>> -> memref<1x!tpu.dma_semaphore, #tpu.memory_space<semaphore_mem>>
    %dma_start3A_187 = tpu.memref_squeeze %dma_start3A_186 : memref<1x!tpu.dma_semaphore, #tpu.memory_space<semaphore_mem>> -> memref<!tpu.dma_semaphore, #tpu.memory_space<semaphore_mem>>
    %dma_start3A_188 = arith.constant 0 : i32
    %dma_start3A_189 = tpu.memref_slice %arg4[%add3A_179, %dma_start3A_188] : memref<1024x512xi32, #tpu.memory_space<hbm>> -> memref<8x512xi32, #tpu.memory_space<hbm>>
    %dma_start3A_190 = arith.constant 16 : i32
    %dma_start3A_191 = arith.constant 0 : i32
    %dma_start3A_192 = tpu.memref_slice %arg6[%dma_start3A_190, %dma_start3A_191] : memref<32x512xi32, #tpu.memory_space<vmem>> -> memref<8x512xi32, #tpu.memory_space<vmem>>
    tpu.enqueue_dma source(%dma_start3A_192 : memref<8x512xi32, #tpu.memory_space<vmem>>) target(%dma_start3A_189 : memref<8x512xi32, #tpu.memory_space<hbm>>) target_semaphore(%dma_start3A_187 : memref<!tpu.dma_semaphore, #tpu.memory_space<semaphore_mem>>)
    %dma_wait3A_193 = arith.constant 3 : i32
    %dma_wait3A_194 = arith.constant 32 : i32
    %dma_wait3A_195 = arith.constant 0 : i32
    %dma_wait3A_196 = tpu.memref_slice %arg5[%dma_wait3A_194, %dma_wait3A_195] : memref<40x512xi32, #tpu.memory_space<vmem>> -> memref<8x512xi32, #tpu.memory_space<vmem>>
    %dma_wait3A_197 = arith.constant 0 : i32
    %dma_wait3A_198 = tpu.memref_slice %arg2[%add3A_48, %dma_wait3A_197] : memref<1024x512xi32, #tpu.memory_space<hbm>> -> memref<8x512xi32, #tpu.memory_space<hbm>>
    %dma_wait3A_199 = tpu.memref_slice %arg9[%dma_wait3A_193] : memref<4x!tpu.dma_semaphore, #tpu.memory_space<semaphore_mem>> -> memref<1x!tpu.dma_semaphore, #tpu.memory_space<semaphore_mem>>
    %dma_wait3A_200 = tpu.memref_squeeze %dma_wait3A_199 : memref<1x!tpu.dma_semaphore, #tpu.memory_space<semaphore_mem>> -> memref<!tpu.dma_semaphore, #tpu.memory_space<semaphore_mem>>
    %dma_wait3A_201 = arith.constant 32 : i32
    %dma_wait3A_202 = arith.constant 0 : i32
    %dma_wait3A_203 = tpu.memref_slice %arg5[%dma_wait3A_201, %dma_wait3A_202] : memref<40x512xi32, #tpu.memory_space<vmem>> -> memref<8x512xi32, #tpu.memory_space<vmem>>
    %dma_wait3A_204 = arith.constant 0 : i32
    %dma_wait3A_205 = tpu.memref_slice %arg2[%add3A_48, %dma_wait3A_204] : memref<1024x512xi32, #tpu.memory_space<hbm>> -> memref<8x512xi32, #tpu.memory_space<hbm>>
    tpu.wait_dma2 semaphore(%dma_wait3A_200 : memref<!tpu.dma_semaphore, #tpu.memory_space<semaphore_mem>>) src(%dma_wait3A_205 : memref<8x512xi32, #tpu.memory_space<hbm>>) dst(%dma_wait3A_203 : memref<8x512xi32, #tpu.memory_space<vmem>>)
    %parallel_loop3A_206 = arith.constant 0 : i32
    %parallel_loop3A_207 = arith.constant 256 : i32
    %parallel_loop3A_208 = arith.constant 1 : i32
    %parallel_loop3A_209 = arith.constant 102 : i32
    %parallel_loop3A_210 = arith.constant 0 : i32
    scf.for %parallel_loop3A_285 = %parallel_loop3A_206 to %parallel_loop3A_207 step %parallel_loop3A_208  : i32 {
      %parallel_loop3A_286 = arith.constant 5 : i32
      %parallel_loop3A_287 = arith.shrsi %parallel_loop3A_285, %parallel_loop3A_286 : i32
      %parallel_loop3A_288 = arith.constant 24 : i32
      %parallel_loop3A_289 = arith.addi %parallel_loop3A_288, %parallel_loop3A_287 : i32
      %parallel_loop3A_290 = arith.constant 31 : i32
      %parallel_loop3A_291 = arith.andi %parallel_loop3A_285, %parallel_loop3A_290 : i32
      %parallel_loop3A_292 = arith.constant 16 : i32
      %parallel_loop3A_293 = arith.muli %parallel_loop3A_291, %parallel_loop3A_292 : i32
      %parallel_loop3A_294 = arith.constant 8 : i32
      %parallel_loop3A_295 = arith.addi %parallel_loop3A_289, %parallel_loop3A_294 : i32
      %parallel_loop3A_296 = vector.broadcast %parallel_loop3A_295 : i32 to vector<16xi32>
      %parallel_loop3A_297 = vector.broadcast %parallel_loop3A_293 : i32 to vector<16xi32>
      %parallel_loop3A_298 = arith.addi %iota3A, %parallel_loop3A_297 : vector<16xi32>
      %parallel_loop3A_299 = vector.broadcast %parallel_loop3A_293 : i32 to vector<16xi32>
      %parallel_loop3A_300 = arith.addi %sub3A_63, %parallel_loop3A_299 : vector<16xi32>
      %parallel_loop3A_301 = tpu.vector_load_idx %arg5[%parallel_loop3A_296, %parallel_loop3A_300] : memref<40x512xi32, #tpu.memory_space<vmem>>[vector<16xi32>, vector<16xi32>], vector<16xi32>,
      %parallel_loop3A_302 = arith.index_cast %parallel_loop3A_289 : i32 to index
      %parallel_loop3A_303 = arith.constant 0 : index
      %parallel_loop3A_304 = tpu.vector_load %arg8[%parallel_loop3A_302, %parallel_loop3A_303] {strides = array<i32>} : memref<32x16xi32, #tpu.memory_space<vmem>>, vector<16xi32>,
      %parallel_loop3A_305 = arith.cmpi slt, %parallel_loop3A_298, %parallel_loop3A_304 : vector<16xi32>
      %parallel_loop3A_306 = arith.cmpi eq, %parallel_loop3A_298, %parallel_loop3A_304 : vector<16xi32>
      %parallel_loop3A_307 = vector.broadcast %parallel_loop3A_209 : i32 to vector<16xi32>
      %parallel_loop3A_308 = vector.broadcast %parallel_loop3A_210 : i32 to vector<16xi32>
      %parallel_loop3A_309 = arith.select %parallel_loop3A_306, %parallel_loop3A_307, %parallel_loop3A_308 : vector<16xi1>, vector<16xi32>
      %parallel_loop3A_310 = arith.select %parallel_loop3A_305, %parallel_loop3A_301, %parallel_loop3A_309 : vector<16xi1>, vector<16xi32>
      %parallel_loop3A_311 = arith.index_cast %parallel_loop3A_289 : i32 to index
      %parallel_loop3A_312 = arith.index_cast %parallel_loop3A_293 : i32 to index
      %parallel_loop3A_313 = tpu.vector_load %arg6[%parallel_loop3A_311, %parallel_loop3A_312] {strides = array<i32>} : memref<32x512xi32, #tpu.memory_space<vmem>>, vector<16xi32>,
      tpu.vector_store %arg6[%parallel_loop3A_311, %parallel_loop3A_312], %parallel_loop3A_310 {strides = array<i32>} : memref<32x512xi32, #tpu.memory_space<vmem>>, vector<16xi32>,
    } {sc.loop_unroll_factor = 16 : i64, sc.parallel_access}
    %scan3A_211 = arith.constant 0 : i32
    %scan3A_212 = arith.constant 24 : i32
    %scan3A_213 = arith.constant 8 : i32
    %scan3A_214 = arith.addi %scan3A_212, %scan3A_213 : i32
    %scan3A_215 = arith.constant 1 : i32
    %scan3A_216 = scf.for %scan3A_285 = %scan3A_212 to %scan3A_214 step %scan3A_215 iter_args(%scan3A_286 = %scan3A_211) -> (i32)  : i32 {
      %broadcast_in_dim3A_287 = vector.broadcast %scan3A_285 : i32 to vector<16xi32>
      tpu.vector_store_idx %arg6[%broadcast_in_dim3A_287, %broadcast_in_dim3A_68], %broadcast_in_dim3A_66 masked %eq3A_65 : memref<32x512xi32, #tpu.memory_space<vmem>>[vector<16xi32>, vector<16xi32>], vector<16xi32>, vector<16xi1>
      %scan3A_288 = arith.constant 0 : i32
      scf.yield %scan3A_288 : i32
    }
    %scan3A_217 = arith.constant 8 : i32
    %add3A_218 = arith.constant 24 : i32
    %add3A_219 = arith.addi %mul3A_2, %add3A_218 : i32
    %dma_start3A_220 = arith.constant 3 : i32
    %dma_start3A_221 = arith.constant 24 : i32
    %dma_start3A_222 = arith.constant 0 : i32
    %dma_start3A_223 = tpu.memref_slice %arg6[%dma_start3A_221, %dma_start3A_222] : memref<32x512xi32, #tpu.memory_space<vmem>> -> memref<8x512xi32, #tpu.memory_space<vmem>>
    %dma_start3A_224 = arith.constant 0 : i32
    %dma_start3A_225 = tpu.memref_slice %arg4[%add3A_219, %dma_start3A_224] : memref<1024x512xi32, #tpu.memory_space<hbm>> -> memref<8x512xi32, #tpu.memory_space<hbm>>
    %dma_start3A_226 = tpu.memref_slice %arg10[%dma_start3A_220] : memref<4x!tpu.dma_semaphore, #tpu.memory_space<semaphore_mem>> -> memref<1x!tpu.dma_semaphore, #tpu.memory_space<semaphore_mem>>
    %dma_start3A_227 = tpu.memref_squeeze %dma_start3A_226 : memref<1x!tpu.dma_semaphore, #tpu.memory_space<semaphore_mem>> -> memref<!tpu.dma_semaphore, #tpu.memory_space<semaphore_mem>>
    %dma_start3A_228 = arith.constant 0 : i32
    %dma_start3A_229 = tpu.memref_slice %arg4[%add3A_219, %dma_start3A_228] : memref<1024x512xi32, #tpu.memory_space<hbm>> -> memref<8x512xi32, #tpu.memory_space<hbm>>
    %dma_start3A_230 = arith.constant 24 : i32
    %dma_start3A_231 = arith.constant 0 : i32
    %dma_start3A_232 = tpu.memref_slice %arg6[%dma_start3A_230, %dma_start3A_231] : memref<32x512xi32, #tpu.memory_space<vmem>> -> memref<8x512xi32, #tpu.memory_space<vmem>>
    tpu.enqueue_dma source(%dma_start3A_232 : memref<8x512xi32, #tpu.memory_space<vmem>>) target(%dma_start3A_229 : memref<8x512xi32, #tpu.memory_space<hbm>>) target_semaphore(%dma_start3A_227 : memref<!tpu.dma_semaphore, #tpu.memory_space<semaphore_mem>>)
    %dma_wait3A_233 = arith.constant 0 : i32
    %dma_wait3A_234 = arith.constant 0 : i32
    %dma_wait3A_235 = arith.constant 0 : i32
    %dma_wait3A_236 = tpu.memref_slice %arg6[%dma_wait3A_234, %dma_wait3A_235] : memref<32x512xi32, #tpu.memory_space<vmem>> -> memref<8x512xi32, #tpu.memory_space<vmem>>
    %dma_wait3A_237 = arith.constant 0 : i32
    %dma_wait3A_238 = tpu.memref_slice %arg4[%add3A_99, %dma_wait3A_237] : memref<1024x512xi32, #tpu.memory_space<hbm>> -> memref<8x512xi32, #tpu.memory_space<hbm>>
    %dma_wait3A_239 = tpu.memref_slice %arg10[%dma_wait3A_233] : memref<4x!tpu.dma_semaphore, #tpu.memory_space<semaphore_mem>> -> memref<1x!tpu.dma_semaphore, #tpu.memory_space<semaphore_mem>>
    %dma_wait3A_240 = tpu.memref_squeeze %dma_wait3A_239 : memref<1x!tpu.dma_semaphore, #tpu.memory_space<semaphore_mem>> -> memref<!tpu.dma_semaphore, #tpu.memory_space<semaphore_mem>>
    %dma_wait3A_241 = arith.constant 0 : i32
    %dma_wait3A_242 = tpu.memref_slice %arg4[%add3A_99, %dma_wait3A_241] : memref<1024x512xi32, #tpu.memory_space<hbm>> -> memref<8x512xi32, #tpu.memory_space<hbm>>
    %dma_wait3A_243 = arith.constant 0 : i32
    %dma_wait3A_244 = arith.constant 0 : i32
    %dma_wait3A_245 = tpu.memref_slice %arg6[%dma_wait3A_243, %dma_wait3A_244] : memref<32x512xi32, #tpu.memory_space<vmem>> -> memref<8x512xi32, #tpu.memory_space<vmem>>
    tpu.wait_dma2 semaphore(%dma_wait3A_240 : memref<!tpu.dma_semaphore, #tpu.memory_space<semaphore_mem>>) src(%dma_wait3A_245 : memref<8x512xi32, #tpu.memory_space<vmem>>) dst(%dma_wait3A_242 : memref<8x512xi32, #tpu.memory_space<hbm>>)
    %dma_wait3A_246 = arith.constant 1 : i32
    %dma_wait3A_247 = arith.constant 8 : i32
    %dma_wait3A_248 = arith.constant 0 : i32
    %dma_wait3A_249 = tpu.memref_slice %arg6[%dma_wait3A_247, %dma_wait3A_248] : memref<32x512xi32, #tpu.memory_space<vmem>> -> memref<8x512xi32, #tpu.memory_space<vmem>>
    %dma_wait3A_250 = arith.constant 0 : i32
    %dma_wait3A_251 = tpu.memref_slice %arg4[%add3A_139, %dma_wait3A_250] : memref<1024x512xi32, #tpu.memory_space<hbm>> -> memref<8x512xi32, #tpu.memory_space<hbm>>
    %dma_wait3A_252 = tpu.memref_slice %arg10[%dma_wait3A_246] : memref<4x!tpu.dma_semaphore, #tpu.memory_space<semaphore_mem>> -> memref<1x!tpu.dma_semaphore, #tpu.memory_space<semaphore_mem>>
    %dma_wait3A_253 = tpu.memref_squeeze %dma_wait3A_252 : memref<1x!tpu.dma_semaphore, #tpu.memory_space<semaphore_mem>> -> memref<!tpu.dma_semaphore, #tpu.memory_space<semaphore_mem>>
    %dma_wait3A_254 = arith.constant 0 : i32
    %dma_wait3A_255 = tpu.memref_slice %arg4[%add3A_139, %dma_wait3A_254] : memref<1024x512xi32, #tpu.memory_space<hbm>> -> memref<8x512xi32, #tpu.memory_space<hbm>>
    %dma_wait3A_256 = arith.constant 8 : i32
    %dma_wait3A_257 = arith.constant 0 : i32
    %dma_wait3A_258 = tpu.memref_slice %arg6[%dma_wait3A_256, %dma_wait3A_257] : memref<32x512xi32, #tpu.memory_space<vmem>> -> memref<8x512xi32, #tpu.memory_space<vmem>>
    tpu.wait_dma2 semaphore(%dma_wait3A_253 : memref<!tpu.dma_semaphore, #tpu.memory_space<semaphore_mem>>) src(%dma_wait3A_258 : memref<8x512xi32, #tpu.memory_space<vmem>>) dst(%dma_wait3A_255 : memref<8x512xi32, #tpu.memory_space<hbm>>)
    %dma_wait3A_259 = arith.constant 2 : i32
    %dma_wait3A_260 = arith.constant 16 : i32
    %dma_wait3A_261 = arith.constant 0 : i32
    %dma_wait3A_262 = tpu.memref_slice %arg6[%dma_wait3A_260, %dma_wait3A_261] : memref<32x512xi32, #tpu.memory_space<vmem>> -> memref<8x512xi32, #tpu.memory_space<vmem>>
    %dma_wait3A_263 = arith.constant 0 : i32
    %dma_wait3A_264 = tpu.memref_slice %arg4[%add3A_179, %dma_wait3A_263] : memref<1024x512xi32, #tpu.memory_space<hbm>> -> memref<8x512xi32, #tpu.memory_space<hbm>>
    %dma_wait3A_265 = tpu.memref_slice %arg10[%dma_wait3A_259] : memref<4x!tpu.dma_semaphore, #tpu.memory_space<semaphore_mem>> -> memref<1x!tpu.dma_semaphore, #tpu.memory_space<semaphore_mem>>
    %dma_wait3A_266 = tpu.memref_squeeze %dma_wait3A_265 : memref<1x!tpu.dma_semaphore, #tpu.memory_space<semaphore_mem>> -> memref<!tpu.dma_semaphore, #tpu.memory_space<semaphore_mem>>
    %dma_wait3A_267 = arith.constant 0 : i32
    %dma_wait3A_268 = tpu.memref_slice %arg4[%add3A_179, %dma_wait3A_267] : memref<1024x512xi32, #tpu.memory_space<hbm>> -> memref<8x512xi32, #tpu.memory_space<hbm>>
    %dma_wait3A_269 = arith.constant 16 : i32
    %dma_wait3A_270 = arith.constant 0 : i32
    %dma_wait3A_271 = tpu.memref_slice %arg6[%dma_wait3A_269, %dma_wait3A_270] : memref<32x512xi32, #tpu.memory_space<vmem>> -> memref<8x512xi32, #tpu.memory_space<vmem>>
    tpu.wait_dma2 semaphore(%dma_wait3A_266 : memref<!tpu.dma_semaphore, #tpu.memory_space<semaphore_mem>>) src(%dma_wait3A_271 : memref<8x512xi32, #tpu.memory_space<vmem>>) dst(%dma_wait3A_268 : memref<8x512xi32, #tpu.memory_space<hbm>>)
    %dma_wait3A_272 = arith.constant 3 : i32
    %dma_wait3A_273 = arith.constant 24 : i32
    %dma_wait3A_274 = arith.constant 0 : i32
    %dma_wait3A_275 = tpu.memref_slice %arg6[%dma_wait3A_273, %dma_wait3A_274] : memref<32x512xi32, #tpu.memory_space<vmem>> -> memref<8x512xi32, #tpu.memory_space<vmem>>
    %dma_wait3A_276 = arith.constant 0 : i32
    %dma_wait3A_277 = tpu.memref_slice %arg4[%add3A_219, %dma_wait3A_276] : memref<1024x512xi32, #tpu.memory_space<hbm>> -> memref<8x512xi32, #tpu.memory_space<hbm>>
    %dma_wait3A_278 = tpu.memref_slice %arg10[%dma_wait3A_272] : memref<4x!tpu.dma_semaphore, #tpu.memory_space<semaphore_mem>> -> memref<1x!tpu.dma_semaphore, #tpu.memory_space<semaphore_mem>>
    %dma_wait3A_279 = tpu.memref_squeeze %dma_wait3A_278 : memref<1x!tpu.dma_semaphore, #tpu.memory_space<semaphore_mem>> -> memref<!tpu.dma_semaphore, #tpu.memory_space<semaphore_mem>>
    %dma_wait3A_280 = arith.constant 0 : i32
    %dma_wait3A_281 = tpu.memref_slice %arg4[%add3A_219, %dma_wait3A_280] : memref<1024x512xi32, #tpu.memory_space<hbm>> -> memref<8x512xi32, #tpu.memory_space<hbm>>
    %dma_wait3A_282 = arith.constant 24 : i32
    %dma_wait3A_283 = arith.constant 0 : i32
    %dma_wait3A_284 = tpu.memref_slice %arg6[%dma_wait3A_282, %dma_wait3A_283] : memref<32x512xi32, #tpu.memory_space<vmem>> -> memref<8x512xi32, #tpu.memory_space<vmem>>
    tpu.wait_dma2 semaphore(%dma_wait3A_279 : memref<!tpu.dma_semaphore, #tpu.memory_space<semaphore_mem>>) src(%dma_wait3A_284 : memref<8x512xi32, #tpu.memory_space<vmem>>) dst(%dma_wait3A_281 : memref<8x512xi32, #tpu.memory_space<hbm>>)
    return
  }
}

module attributes {stable_mosaic.version = 14 : i64} {
  func.func @_mask_body(%arg0: i32, %arg1: memref<256x1xi32, #tpu.memory_space<vmem>>, %arg2: memref<256x512xi32, #tpu.memory_space<vmem>>) attributes {dimension_semantics = [#tpu.dimension_semantics<arbitrary>], iteration_bounds = array<i64: 4>, scalar_prefetch = 0 : i64, scratch_operands = 0 : i64, tpu.core_type = #tpu.core_type<tc>, window_params = [{transform_indices = @transform_0, window_bounds = array<i64: 256, 1>}, {transform_indices = @transform_1, window_bounds = array<i64: 256, 512>}]} {
    %get3A = arith.constant 0 : index
    %get3A_0 = arith.constant 0 : index
    %get3A_1 = vector.load %arg1[%get3A, %get3A_0] : memref<256x1xi32, #tpu.memory_space<vmem>>, vector<256x1xi32>
    %min3A = arith.constant 510 : i32
    %min3A_2 = vector.broadcast %min3A : i32 to vector<256x1xi32>
    %min3A_3 = arith.minsi %get3A_1, %min3A_2 : vector<256x1xi32>
    %add3A = arith.constant 1 : i32
    %add3A_4 = vector.broadcast %add3A : i32 to vector<256x1xi32>
    %add3A_5 = arith.addi %min3A_3, %add3A_4 : vector<256x1xi32>
    %iota3A = tpu.iota {dimensions = array<i32: 1>} : vector<256x512xi32>
    %le3A = vector.broadcast %add3A_5 : vector<256x1xi32> to vector<256x512xi32>
    %le3A_6 = arith.cmpi sle, %iota3A, %le3A : vector<256x512xi32>
    %jit3A = arith.constant 1 : i32
    %jit3A_7 = arith.constant 0 : i32
    %broadcast_in_dim3A = vector.broadcast %jit3A : i32 to vector<256x512xi32>
    %broadcast_in_dim3A_8 = vector.broadcast %jit3A_7 : i32 to vector<256x512xi32>
    %select_n3A = arith.select %le3A_6, %broadcast_in_dim3A, %broadcast_in_dim3A_8 : vector<256x512xi1>, vector<256x512xi32>
    %swap3A = arith.constant 0 : index
    %swap3A_9 = arith.constant 0 : index
    %swap3A_10 = vector.load %arg2[%swap3A, %swap3A_9] : memref<256x512xi32, #tpu.memory_space<vmem>>, vector<256x512xi32>
    tpu.vector_store %arg2[%swap3A, %swap3A_9], %select_n3A {strides = array<i32>} : memref<256x512xi32, #tpu.memory_space<vmem>>, vector<256x512xi32>,
    return
  }
  func.func @transform_0(%arg0: i32) -> (i32, i32) {
    %c0_i32 = arith.constant 0 : i32
    %c0_i32_0 = arith.constant 0 : i32
    return %arg0, %c0_i32 : i32, i32
  }
  func.func @transform_1(%arg0: i32) -> (i32, i32) {
    %c0_i32 = arith.constant 0 : i32
    %c0_i32_0 = arith.constant 0 : i32
    return %arg0, %c0_i32 : i32, i32
  }
}

</mosaic_0001>

<sc_bundles>
// kernel: kernel.4.cloned.1.call-start
scs
__scs_entry_jumppad:
0x0: {  	(pc) =	sbr.rel $0x88, $3  }
0x1: {  	(tag) =	ssettag $0x0;
	lr =	simm.s32 $0x1  }
0x2: {  	[smem:$0x3F9F] =	sst lr;
	_ =	strace $0xD0000000  }
0x3: {  	_ = 	snop  }
0x4: {  	_ = 	snop  }
0x5: {  	_ = 	snop  }
0x6: {  	_ = 	snop  }
0x7: {  	_ = 	snop  }
__scs_overlays_trampoline_lowered:
0x8: {  	[smem:$0x3FAE] =	sst s0  }
0x9: {  	[smem:$0x3FAF] =	sst s1  }
0xa: {  	[smem:$0x3FB0] =	sst s2  }
0xb: {  	[smem:$0x3FB1] =	sst s3  }
0xc: {  	[smem:$0x3FB2] =	sst s4  }
0xd: {  	[smem:$0x3FB3] =	sst s5  }
0xe: {  	[smem:$0x3FB4] =	sst s6  }
0xf: {  	[smem:$0x3FB5] =	sst s7  }
0x10: {  	[smem:$0x3FB6] =	sst s8  }
0x11: {  	[smem:$0x3FB7] =	sst s9;
	s0 =	simm.s32 @!p0 $0x0  }
0x12: {  	s1 =	sld [smem:$0x3F9D];
	s0 =	simm.s32 @p0 $0x1  }
0x13: {  	[smem:$0x3FB8] =	sst s0;
	s0 =	simm.s32 @!p1 $0x0  }
0x14: {  	s2 =	sld [smem:$0x3F9C];
	s0 =	simm.s32 @p1 $0x1  }
0x15: {  	[smem:$0x3FB9] =	sst s0;
	s0 =	simm.s32 @!p2 $0x0  }
0x16: {  	s3 =	sld [smem:$0x3FDB];
	s0 =	simm.s32 @p2 $0x1  }
0x17: {  	s4 =	simm.s32 $0x1BF5;
	[smem:$0x3FBB] =	sst s0  }
0x18: {  	s0 =	sld [smem:$0x3F9E];
	_ =	swait.ge [sflag:s4], $0x0  }
0x19: {  	s7 =	sld [smem:$0x3F9F]  }
0x1a: {  	s8 =	sadd.s32 $0xFFFFE003, lr  }
0x1b: {  	s9 =	sadd.s32 $0xFFFFFEF7, lr;
	s5 =	simm.s32 $0xFFFFFFFF;
	p2 =	slt.u32 s8, $0xFFFFF086  }
0x1c: {  	p1 =	slt.u32 s9, $0xF7A;
	s5 =	simm.s32 @!p2 $0x0  }
0x1d: {  	s5 =	simm.s32 @p1 $0x1;
	p0 =	seq.s32 s7, s2  }
0x1e: {  	s7 =	smul.u32 @!p0 $0xF7A, s2;
	p2 =	seq.s32 @!p0 s5, $0x0  }
0x1f: {  	s9 =	smul.u32 $0xF7A, s1;
	s8 =	simm.s32 @!p0 $0x1BF5;
	p2 =	por !p2, p0  }
0x20: {  	[sflag:s8] =	ssyncset.s32 @!p0 $0xFFFFF086;
	s6 =	sadd.s32 @!p0 s3, s7;
	s7 =	simm.s32 @!p0 $0x108  }
0x21: {  	s3 =	sadd.s32 s3, s9;
	s6 =	sadd.s32 @!p0 $0x88, s6;
	s7 =	simm.s32 @p2 $0x1082  }
0x22: {  	[simem:s7], [sflag:s8] =	dma.local @!p0 [hbm:s6], $0xF7A  }
0x23: {  	s9 =	sor.u32 $0xD0000000, s2;
	s6 =	simm.s32 $0x108;
	_ =	swait.ge @!p0 [sflag:s8], $0x0  }
0x24: {  	s3 =	sadd.s32 $0x88, s3;
	s6 =	simm.s32 @!p1 $0x1082;
	[sflag:s4] =	ssyncset.s32 $0xFFFFF086  }
0x25: {  	[simem:s6], [sflag:s4] =	dma.local [hbm:s3], $0xF7A  }
0x26: {  	[smem:$0x3F9F] =	sst s1;
	(tag) =	ssettag s2;
	_ =	strace s9  }
0x27: {  	s1 =	sld [smem:$0x3FAF]  }
0x28: {  	s2 =	sld [smem:$0x3FB0]  }
0x29: {  	s4 =	sld [smem:$0x3FB2]  }
0x2a: {  	p0 =	seq.s32 s5, $0x0;
	s5 =	sld [smem:$0x3FB3]  }
0x2b: {  	s6 =	sld [smem:$0x3FB4]  }
0x2c: {  	s7 =	sld [smem:$0x3FB5]  }
0x2d: {  	s3 =	simm.s32 $0x108;
	s8 =	sld [smem:$0x3FB6]  }
0x2e: {  	s3 =	simm.s32 @!p0 $0x1082;
	s9 =	sld [smem:$0x3FB7]  }
0x2f: {  	lr =	sadd.s32 s0, s3;
	s0 =	sld [smem:$0x3FAE]  }
0x30: {  	s3 =	sld [smem:$0x3FB1]  }
0x31: {  	[smem:$0x3FBA] =	sst s10  }
0x32: {  	s10 =	sld [smem:$0x3FB8];
	_ =	sdelay $0x3  }
0x33: {  	p0 =	seq.s32 s10, $0x1;
	s10 =	sld [smem:$0x3FBA];
	_ =	sdelay $0x3  }
0x34: {  	[smem:$0x3FBA] =	sst s10  }
0x35: {  	s10 =	sld [smem:$0x3FB9];
	_ =	sdelay $0x3  }
0x36: {  	p1 =	seq.s32 s10, $0x1;
	s10 =	sld [smem:$0x3FBA];
	_ =	sdelay $0x3  }
0x37: {  	[smem:$0x3FBA] =	sst s10  }
0x38: {  	s10 =	sld [smem:$0x3FBB]  }
0x39: {  	_ = 	snop;
	(pc) =	sbr.ind lr, $3  }
0x3a: {  	_ = 	snop  }
0x3b: {  	_ = 	snop  }
0x3c: {  	p2 =	seq.s32 s10, $0x1;
	s10 =	sld [smem:$0x3FBA]  }
0x3d: {  	_ =	shalt  }
0x3e: {  	_ =	shalt  }
0x3f: {  	_ =	shalt  }
0x40: {  	_ =	shalt  }
0x41: {  	_ =	shalt  }
0x42: {  	_ =	shalt  }
0x43: {  	_ =	shalt  }
0x44: {  	_ =	shalt  }
0x45: {  	_ =	shalt  }
0x46: {  	_ =	shalt  }
0x47: {  	_ =	shalt  }
0x48: {  	_ =	shalt  }
0x49: {  	_ =	shalt  }
0x4a: {  	_ =	shalt  }
0x4b: {  	_ =	shalt  }
0x4c: {  	_ =	shalt  }
0x4d: {  	_ =	shalt  }
0x4e: {  	_ =	shalt  }
0x4f: {  	_ =	shalt  }
0x50: {  	_ =	shalt  }
0x51: {  	_ =	shalt  }
0x52: {  	_ =	shalt  }
0x53: {  	_ =	shalt  }
0x54: {  	_ =	shalt  }
0x55: {  	_ =	shalt  }
0x56: {  	_ =	shalt  }
0x57: {  	_ =	shalt  }
0x58: {  	_ =	shalt  }
0x59: {  	_ =	shalt  }
0x5a: {  	_ =	shalt  }
0x5b: {  	_ =	shalt  }
0x5c: {  	_ =	shalt  }
0x5d: {  	_ =	shalt  }
0x5e: {  	_ =	shalt  }
0x5f: {  	_ =	shalt  }
0x60: {  	_ =	shalt  }
0x61: {  	_ =	shalt  }
0x62: {  	_ =	shalt  }
0x63: {  	_ =	shalt  }
0x64: {  	_ =	shalt  }
0x65: {  	_ =	shalt  }
0x66: {  	_ =	shalt  }
0x67: {  	_ =	shalt  }
0x68: {  	_ =	shalt  }
0x69: {  	_ =	shalt  }
0x6a: {  	_ =	shalt  }
0x6b: {  	_ =	shalt  }
0x6c: {  	_ =	shalt  }
0x6d: {  	_ =	shalt  }
0x6e: {  	_ =	shalt  }
0x6f: {  	_ =	shalt  }
0x70: {  	_ =	shalt  }
0x71: {  	_ =	shalt  }
0x72: {  	_ =	shalt  }
0x73: {  	_ =	shalt  }
0x74: {  	_ =	shalt  }
0x75: {  	_ =	shalt  }
0x76: {  	_ =	shalt  }
0x77: {  	_ =	shalt  }
0x78: {  	_ =	shalt  }
0x79: {  	_ =	shalt  }
0x7a: {  	_ =	shalt  }
0x7b: {  	_ =	shalt  }
0x7c: {  	_ =	shalt  }
0x7d: {  	_ =	shalt  }
0x7e: {  	_ =	shalt  }
0x7f: {  	_ =	shalt  }
0x80: {  	_ =	shalt  }
0x81: {  	_ =	shalt  }
0x82: {  	_ =	shalt  }
0x83: {  	_ =	shalt  }
0x84: {  	_ =	shalt  }
0x85: {  	_ =	shalt  }
0x86: {  	_ =	shalt  }
0x87: {  	_ =	shalt  }
.Lfunc_end0:
.L_simem_size_0:
called_computation_lowered:
.L_overlay_start_0:
0x88: {  	s2 =	sld [smem:$0x3FD9]  }
0x89: {  	s3 =	sld [smem:$0x3FFE];
	_ =	sdelay $0x1  }
0x8a: {  	s1 =	srdreg.scid  }
0x8b: {  	s0 =	sand.u32 $0x1, s1  }
0x8c: {  	s15 =	sshll.u32 s0, $0xA;
	s2 =	sadd.s32 s3, s2  }
0x8d: {  	s2 =	sadd.s32 s2, s15  }
0x8e: {  	[smem:$0x3FC6] =	sst s2  }
0x8f: {  	_ = 	snop  }
0x90: {  	s2 =	sld [smem:$0x3FD0];
	_ =	sdelay $0x1  }
0x91: {  	s16 =	sld [smem:$0x3FC9]  }
0x92: {  	s5 =	simm.s32 $0xA;
	s6 =	simm.s32 $0x10;
	s4 =	sld [smem:$0x3FC8]  }
0x93: {  	[smem:s6], [sflag:s5] =	dma.local [hbm:s2], $0x1  }
0x94: {  	_ =	swait.eq [sflag:s5], $0x1  }
0x95: {  	[sflag:s5] =	ssyncset.done $0x0  }
0x96: {  	[sflag:s5] =	ssyncadd.s32 $0xFFFFFFFF  }
0x97: {  	s17 =	sld [smem:$0x10];
	(tm) =	ssettm $0x1  }
0x98: {  	s18 =	sld [smem:$0x3FFB];
	_ =	sdelay $0x3  }
0x99: {  	_ =	strace s18  }
0x9a: {  	s5 =	sld [smem:$0x3FFC];
	_ =	sdelay $0x3  }
0x9b: {  	_ =	strace s5  }
0x9c: {  	s5 =	sld [smem:$0x3FFD];
	_ =	sdelay $0x3  }
0x9d: {  	_ =	strace s5  }
0x9e: {  	_ =	strace $0x8FFFFFFF  }
0x9f: {  	s19 =	sld [smem:$0x3FDB];
	_ =	sdelay $0x1  }
0xa0: {  	s20 =	simm.s32 $_scs_section_size  }
0xa1: {  	s7 =	simm.s32 $_size__tile_overlayer_lowered;
	s8 =	simm.s32 $_tile_overlayer_lowered  }
0xa2: {  	s23 =	simm.s32 $0x1BFF;
	s22 =	sshll.u32 s8, $0x1;
	s5 =	sadd.s32 s20, s19  }
0xa3: {  	s9 =	simm.s32 $0x0;
	s21 =	sshll.u32 s7, $0x1;
	s7 =	sadd.s32 s22, s5  }
0xa4: {  	[timem:s9], [sflag:s23] =	dma.local [hbm:s7], s21  }
0xa5: {  	_ =	swait.ge [sflag:s23], s21  }
0xa6: {  	s6 =	ssub.s32 $0x0, s21;
	[sflag:s23] =	ssyncset.done $0x0  }
0xa7: {  	[sflag:s23] =	ssyncadd.s32 s6;
	_ =	sdelay $0x1  }
0xa8: {  	s24 =	simm.s32 $0x1B8B  }
0xa9: {  	_ =	swait.ge [sflag:s24], $0x1  }
0xaa: {  	[sflag:s24] =	ssyncset.done $0x0  }
0xab: {  	s25 =	simm.s32 $0x1B8E;
	[sflag:s24] =	ssyncadd.s32 $0xFFFFFFFF  }
0xac: {  	s26 =	simm.s32 $execute0_lowered;
	[smem:$0x3FD2] =	sst s25  }
0xad: {  	s6 =	sshll.u32 s26, $0x1;
	_ =	strace $0x80000046;
	[dreg:$0x1] =	wrdreg $0xFFFFFFFF  }
0xae: {  	s28 =	simm.s32 $_size_execute0_lowered;
	s5 =	sadd.s32 s5, s6;
	[dreg:$0x0] =	wrdreg $0x0  }
0xaf: {  	s6 =	sshll.u32 s28, $0x1;
	[dreg:$0x2] =	wrdreg s5  }
0xb0: {  	[dreg:$0x3] =	wrdreg s6  }
0xb1: {  	[dreg:$0x4] =	wrdreg $0xC0  }
0xb2: {  	_ =	task [dreg:s9], $0x5FFFF  }
0xb3: {  	[dreg:$0x1] =	wrdreg $0xFFFFFFFF  }
0xb4: {  	[dreg:$0x0] =	wrdreg $0x60  }
0xb5: {  	[dreg:$0x2] =	wrdreg s16  }
0xb6: {  	[dreg:$0x3] =	wrdreg s4  }
0xb7: {  	[dreg:$0x4] =	wrdreg s17  }
0xb8: {  	[dreg:$0x5] =	wrdreg $0x9  }
0xb9: {  	_ =	task.clear_ibuf [dreg:s9], $0x6FFFF;
	_ =	strace $0x90000046  }
0xba: {  	s29 =	simm.s32 $0x9;
	_ =	strace $0x80000048  }
0xbb: {  	_ =	swait.ge [sflag:s29], $0x1  }
0xbc: {  	[sflag:s29] =	ssyncadd.s32 $0xFFFFFFFF  }
0xbd: {  	_ =	strace $0x90000048  }
0xbe: {  	_ =	sfence  }
0xbf: {  	s30 =	sld [smem:$0x0];
	_ =	sdelay $0x2  }
0xc0: {  	s31 =	sshll.u32 s1, $0xD;
	s1 =	sshrl.u32 s1, $0x2  }
0xc1: {  	s3 =	sand.u32 $0x4000, s31;
	s1 =	sadd.s32 s1, s30  }
0xc2: {  	s0 =	sor.u32 s3, s0;
	s1 =	sshll.u32 s1, $0x11  }
0xc3: {  	s0 =	sor.u32 s1, s0  }
0xc4: {  	s0 =	sadd.s32 $0x8F2B, s0  }
0xc5: {  	[sflag:s0] =	ssyncadd.remote.s32 $0x1  }
0xc6: {  	_ =	sfence.sel $0xFFFF  }
0xc7: {  	[dreg:$0x0] =	wrdreg $0xFFFFFFFF;
	(pc) =	sbr.abs _section_cstart, $3  }
0xc8: {  	[dreg:$0x1] =	wrdreg $0xFFFFFFFF  }
0xc9: {  	_ =	task.clear_ibuf [dreg:s9], $0x2FFFF;
	_ =	strace $0x9FFFFFFF  }
0xca: {  	(tm) =	ssettm $0x7FFFFFFF  }
0xcb: {  	_ =	shalt  }
tec
execute0_lowered:
.L_overlay_start_1:
0x0: {  	(tag) =	ssettag $0x1  }
0x1: {  	v0 =	vlaneseq.u32;
	v3 =	vimm.s32 $0x100E;
	vm14 =	vcmask $0x300  }
0x2: {  	vm13 =	vcmask $0x704;
	v4 =	vimm.s32 $0x6543A987;
	vm12 =	vcmask $0xB08  }
0x3: {  	vm11 =	vcmask $0xF0C;
	v5 =	vimm.s32 $0x201007F;
	vm10 =	vcmask $0x1310  }
0x4: {  	vm9 =	vcmask $0x1714;
	vm8 =	vcmask $0x1B18;
	vm7 =	vcmask $0x1F1C  }
0x5: {  	vm0 =	vcmask $0x2F10;
	vm6 =	vcmask $0x2320;
	vm5 =	vcmask $0x2724  }
0x6: {  	vm4 =	vcmask $0x2B28;
	vm3 =	vcmask $0x2F2C;
	vm15 =	vcmask $0x3F30  }
0x7: {  	vm1 =	vcmask $0x3330;
	vm2 =	vcmask $0x3734;
	v9 =	vimm.s32 $0x180  }
0x8: {  	v10 =	vimm.s32 $0x200;
	v11 =	vimm.s32 $0x280;
	v12 =	vimm.s32 $0x300  }
0x9: {  	v13 =	vimm.s32 $0x380;
	v14 =	vimm.s32 $0x200E;
	v15 =	vimm.s32 $0x300E  }
0xa: {  	v16 =	vimm.s32 $0x400E;
	v2 =	vmul.u32 $0x8, v0;
	v1 =	vadd.s32 $0xFFFFFFFF, v0  }
0xb: {  	v3 =	vsel vm14, $0x107F, v3;
	v4 =	vunpack.c.l.s4.s8 v4;
	v5 =	vunpack.c.0.s8.s32 v5  }
0xc: {  	v14 =	vsel vm14, $0x207F, v14;
	v15 =	vsel vm14, $0x307F, v15;
	v16 =	vsel vm14, $0x407F, v16  }
0xd: {  	v3 =	vsel vm13, $0x1000, v3;
	v14 =	vsel vm13, $0x2000, v14;
	v15 =	vsel vm13, $0x3000, v15  }
0xe: {  	v16 =	vsel vm13, $0x4000, v16;
	v2 =	vadd.s32 $0xFFFFFFF8, v2;
	v3 =	vsel vm12, $0x1001, v3  }
0xf: {  	v4 =	vunpack.c.0.s8.s32 v4;
	v14 =	vsel vm12, $0x2001, v14;
	v15 =	vsel vm12, $0x3001, v15  }
0x10: {  	v16 =	vsel vm12, $0x4001, v16;
	v3 =	vsel vm11, $0x1002, v3;
	v14 =	vsel vm11, $0x2002, v14  }
0x11: {  	v15 =	vsel vm11, $0x3002, v15;
	v16 =	vsel vm11, $0x4002, v16;
	v3 =	vsel vm10, $0x1003, v3  }
0x12: {  	v4 =	vand.u32 $0xF, v4;
	v14 =	vsel vm10, $0x2003, v14;
	v15 =	vsel vm10, $0x3003, v15  }
0x13: {  	s1 =	srdreg.scid;
	v16 =	vsel vm10, $0x4003, v16;
	v3 =	vsel vm9, $0x1004, v3;
	v4 =	vsel vm0, v4, v5  }
0x14: {  	s0 =	rddreg [dreg:$0x0];
	s2 =	stileid.u32;
	s1 =	sand.u32 $0x1, s1;
	v5 =	vimm.s32 $0xE0D0C0B;
	v14 =	vsel vm9, $0x2004, v14;
	v15 =	vsel vm9, $0x3004, v15  }
0x15: {  	s3 =	rddreg [dreg:$0x1];
	s5 =	sshll.u32 s2, $0x6;
	s6 =	sshll.u32 s1, $0x5;
	v16 =	vsel vm9, $0x4004, v16;
	v3 =	vsel vm8, $0x1005, v3;
	v5 =	vunpack.c.0.s8.s32 v5  }
0x16: {  	s4 =	rddreg [dreg:$0x2];
	s2 =	simm.s32 $0x0;
	s5 =	sor.u32 s6, s5;
	v14 =	vsel vm8, $0x2005, v14;
	v15 =	vsel vm8, $0x3005, v15;
	v16 =	vsel vm8, $0x4005, v16  }
0x17: {  	[smem:$0x7FF] =	sst s2;
	s1 =	ssub.s32 $0x2, s1;
	s6 =	sshll.u32 s5, $0x6;
	v3 =	vsel vm7, $0x1006, v3;
	v14 =	vsel vm7, $0x2006, v14;
	v15 =	vsel vm7, $0x3006, v15  }
0x18: {  	_ =	strace $0x80000047;
	s5 =	sshrl.u32 s5, $0x3;
	s22 =	sadd.s32 s0, s6;
	v16 =	vsel vm7, $0x4006, v16;
	v3 =	vsel vm6, $0x1007, v3;
	v14 =	vsel vm6, $0x2007, v14  }
0x19: {  	s7 =	sshrl.u32 s1, $0x1;
	s25 =	sadd.s32 s3, s5;
	[dreg:$0x4] =	wrdreg s22;
	v15 =	vsel vm6, $0x3007, v15;
	v16 =	vsel vm6, $0x4007, v16;
	v3 =	vsel vm5, $0x1008, v3  }
0x1a: {  	s1 =	ssub.s32 s1, s7;
	s26 =	sadd.s32 s4, s6;
	[dreg:$0x8] =	wrdreg s25;
	v14 =	vsel vm5, $0x2008, v14;
	v15 =	vsel vm5, $0x3008, v15;
	v16 =	vsel vm5, $0x4008, v16  }
0x1b: {  	s8 =	sor.u32 $0x200, s6;
	s31 =	smax.u32 s1, $0x1;
	[dreg:$0x9] =	wrdreg s26;
	v3 =	vsel vm4, $0x1009, v3;
	v14 =	vsel vm4, $0x2009, v14;
	v15 =	vsel vm4, $0x3009, v15  }
0x1c: {  	s24 =	sor.u32 $0x400, s6;
	s23 =	sadd.s32 s0, s8;
	[dreg:$0xd] =	wrdreg s31;
	v16 =	vsel vm4, $0x4009, v16;
	v6 =	vsel vm3, $0x100A, v3;
	v3 =	vsel vm15, v5, v4  }
0x1d: {  	s9 =	sor.u32 $0x600, s6;
	s10 =	sadd.s32 s0, s24;
	[dreg:$0x5] =	wrdreg s23;
	v4 =	vimm.s32 $0x0;
	vm15 =	vcmask $0x3B38;
	v14 =	vsel vm3, $0x200A, v14  }
0x1e: {  	s0 =	sadd.s32 s0, s9;
	[dreg:$0x6] =	wrdreg s10;
	v15 =	vsel vm3, $0x300A, v15;
	v16 =	vsel vm3, $0x400A, v16;
	v5 =	vsel vm1, $0x100B, v6  }
0x1f: {  	s28 =	sadd.s32 s4, s8;
	[dreg:$0x7] =	wrdreg s0;
	v6 =	vimm.s32 $0x65;
	v14 =	vsel vm1, $0x200B, v14;
	v15 =	vsel vm1, $0x300B, v15  }
0x20: {  	s29 =	sadd.s32 s4, s24;
	[dreg:$0xa] =	wrdreg s28;
	v16 =	vsel vm1, $0x400B, v16;
	v5 =	vsel vm2, $0x100C, v5;
	v14 =	vsel vm2, $0x200C, v14  }
0x21: {  	s30 =	sadd.s32 s4, s9;
	[dreg:$0xb] =	wrdreg s29;
	v15 =	vsel vm2, $0x300C, v15;
	v16 =	vsel vm2, $0x400C, v16;
	v5 =	vsel vm15, $0x100D, v5  }
0x22: {  	s3 =	simm.s32 $0x0;
	s4 =	simm.s32 $0x9000;
	[dreg:$0xc] =	wrdreg s30;
	v14 =	vsel vm15, $0x200D, v14;
	v15 =	vsel vm15, $0x300D, v15;
	v16 =	vsel vm15, $0x400D, v16  }
.LBB2_1:
0x23: {  	[dreg:$0xe] =	wrdreg s3  }
0x24: {  	s0 =	rddreg [dreg:$0x4];
	s1 =	simm.s32 $0x1000  }
0x25: {  	[tilespmem:s1], [sflag:$0x1] =	stream.linear.gather [hbm4b:s0+s2], $0x1000, $0x38;
	[tilespmem:$0xA080] =	vst v63  }
0x26: {  	s21 =	rddreg [dreg:$0x5];
	s22 =	simm.s32 $0x2000  }
0x27: {  	[tilespmem:s22], [sflag:$0x2] =	stream.linear.gather [hbm4b:s21+s2], $0x1000, $0x38;
	[tilespmem:$0xA080] =	vst v63  }
0x28: {  	s23 =	rddreg [dreg:$0x6];
	s24 =	simm.s32 $0x3000  }
0x29: {  	[tilespmem:s24], [sflag:$0x3] =	stream.linear.gather [hbm4b:s23+s2], $0x1000, $0x38;
	[tilespmem:$0xA080] =	vst v63  }
0x2a: {  	s25 =	rddreg [dreg:$0x7];
	s26 =	simm.s32 $0x4000  }
0x2b: {  	[tilespmem:s26], [sflag:$0x4] =	stream.linear.gather [hbm4b:s25+s2], $0x1000, $0x38;
	[tilespmem:$0xA080] =	vst v63  }
0x2c: {  	v17 =	vmov s2;
	s28 =	rddreg [dreg:$0x8];
	s29 =	simm.s32 $0x9  }
0x2d: {  	[tilespmem:s4], [sflag:$0x9] =	stream.linear.gather [hbm4b:s28+s2], $0x20, $0x38;
	[tilespmem:$0xA080] =	vst v63  }
0x2e: {  	_ =	swait.ge [sflag:s29], $0x20  }
0x2f: {  	[sflag:s29] =	ssyncset.done $0x0  }
0x30: {  	[sflag:s29] =	ssyncadd.s32 $0xFFFFFFE0  }
0x31: {  	v17 =	vld.idx.msk [tilespmem:v17+s4+$0x0], $0xffff;
	_ =	sdelay $0x2  }
0x32: {  	s30 =	simm.s32 $0x1  }
0x33: {  	v18 =	vmov s30  }
0x34: {  	vm0 =	vlt.s32 v17, $0x1FE  }
0x35: {  	v17 =	vnsel vm0, $0x1FE, v17  }
0x36: {  	s0 =	simm.s32 $0x9080;
	v17 =	vadd.s32 $0x1, v17  }
0x37: {  	[tilespmem:s0+$0x0] =	vst v17  }
0x38: {  	v18 =	vld.idx.msk [tilespmem:v18+s4+$0x0], $0xffff;
	_ =	sdelay $0x2  }
0x39: {  	s31 =	simm.s32 $0x2  }
0x3a: {  	s3 =	simm.s32 $0x3;
	v17 =	vmov s31  }
.LBB2_2:
0x3b: {  	p0 =	sne.s32 s3, $0x1F;
	vm0 =	vlt.s32 v18, $0x1FE  }
0x3c: {  	v18 =	vnsel vm0, $0x1FE, v18  }
0x3d: {  	s0 =	sadd.s32 $0x80, s0;
	v18 =	vadd.s32 $0x1, v18  }
0x3e: {  	[tilespmem:s0+$0x0] =	vst v18  }
0x3f: {  	v18 =	vld.idx.msk [tilespmem:v17+s4+$0x0], $0xffff  }
.Ltmp0:
0x40: {  	(pc) =	sbr.rel @p0 .LBB2_2-.Ltmp0, $2  }
0x41: {  	_ =	sdelay $0x2  }
0x42: {  	v17 =	vmov s3;
	s3 =	sadd.s32 $0x1, s3  }
0x43: {  	vm0 =	vlt.s32 v18, $0x1FE;
	s5 =	sadd.s32 $0x80, s0;
	s0 =	simm.s32 $0x0  }
0x44: {  	v18 =	vnsel vm0, $0x1FE, v18;
	s22 =	sand.u32 $0x100, s0  }
0x45: {  	s3 =	simm.s32 $0x0;
	v18 =	vadd.s32 $0x1, v18;
	s6 =	sor.u32 $0x10, s22  }
0x46: {  	s7 =	sor.u32 $0x20, s22;
	s8 =	sor.u32 $0x30, s22;
	s9 =	sor.u32 $0x40, s22;
	v56 =	vor.u32 s22, v0;
	[tilespmem:s5+$0x0] =	vst v18;
	v18 =	vmov s3;
	v25 =	vadd.s32 s6, v1  }
0x47: {  	s11 =	sor.u32 $0x50, s22;
	s13 =	sor.u32 $0x60, s22;
	s14 =	sor.u32 $0x70, s22;
	v27 =	vadd.s32 s7, v1;
	v28 =	vadd.s32 s8, v1;
	v29 =	vadd.s32 s9, v1  }
0x48: {  	s23 =	sor.u32 $0x80, s22;
	s24 =	sor.u32 $0x90, s22;
	v30 =	vadd.s32 s11, v1;
	v31 =	vadd.s32 s13, v1;
	v32 =	vadd.s32 s14, v1  }
0x49: {  	s25 =	sor.u32 $0xA0, s22;
	s26 =	sor.u32 $0xB0, s22;
	v33 =	vmov s23;
	v19 =	vor.u32 s8, v0;
	v35 =	vadd.s32 s24, v1  }
0x4a: {  	s28 =	sor.u32 $0xC0, s22;
	s10 =	sor.u32 $0xD0, s22;
	v36 =	vadd.s32 s25, v1;
	v37 =	vadd.s32 s26, v1;
	v22 =	vor.u32 s11, v0  }
0x4b: {  	s12 =	sor.u32 $0xE0, s22;
	s29 =	sor.u32 $0xF0, s22;
	v38 =	vadd.s32 s28, v1;
	v39 =	vadd.s32 s10, v1;
	v24 =	vor.u32 s13, v0  }
0x4c: {  	v23 =	vor.u32 s14, v0;
	v41 =	vadd.s32 s12, v1;
	v42 =	vadd.s32 s29, v1  }
0x4d: {  	v18 =	vshll.u32 v18, $0x7;
	v40 =	vshll.u32 v25, $0x3;
	v43 =	vshll.u32 v27, $0x3  }
0x4e: {  	v44 =	vshll.u32 v28, $0x3;
	v45 =	vshll.u32 v29, $0x3;
	v46 =	vshll.u32 v30, $0x3  }
0x4f: {  	v47 =	vshll.u32 v31, $0x3;
	v48 =	vshll.u32 v32, $0x3;
	v33 =	vshll.u32 v33, $0x3  }
0x50: {  	v49 =	vshll.u32 v35, $0x3;
	v50 =	vshll.u32 v36, $0x3;
	v51 =	vshll.u32 v37, $0x3  }
0x51: {  	v52 =	vshll.u32 v38, $0x3;
	v53 =	vshll.u32 v39, $0x3;
	v54 =	vshll.u32 v41, $0x3  }
0x52: {  	v55 =	vshll.u32 v42, $0x3;
	v25 =	vand.u32 $0x7F, v25;
	v27 =	vand.u32 $0x7F, v27  }
0x53: {  	v28 =	vand.u32 $0x7F, v28;
	v29 =	vand.u32 $0x7F, v29;
	v30 =	vand.u32 $0x7F, v30  }
0x54: {  	v31 =	vand.u32 $0x7F, v31;
	v32 =	vand.u32 $0x7F, v32;
	v35 =	vand.u32 $0x7F, v35  }
0x55: {  	v36 =	vand.u32 $0x7F, v36;
	v37 =	vand.u32 $0x7F, v37;
	v38 =	vand.u32 $0x7F, v38  }
0x56: {  	v39 =	vand.u32 $0x7F, v39;
	v41 =	vand.u32 $0x7F, v41;
	v42 =	vand.u32 $0x7F, v42  }
0x57: {  	v18 =	vand.u32 $0x380, v18;
	v40 =	vand.u32 $0xFFFFFC00, v40;
	v43 =	vand.u32 $0xFFFFFC00, v43  }
0x58: {  	v44 =	vand.u32 $0xFFFFFC00, v44;
	v45 =	vand.u32 $0xFFFFFC00, v45;
	v46 =	vand.u32 $0xFFFFFC00, v46  }
0x59: {  	v47 =	vand.u32 $0xFFFFFC00, v47;
	v33 =	vadd.s32 v2, v33;
	v57 =	vand.u32 $0xFFFFFC00, v49  }
0x5a: {  	v58 =	vand.u32 $0xFFFFFC00, v50;
	v59 =	vand.u32 $0xFFFFFC00, v51;
	v60 =	vand.u32 $0xFFFFFC00, v52  }
0x5b: {  	v61 =	vand.u32 $0xFFFFFC00, v53;
	v62 =	vand.u32 $0xFFFFFC00, v54;
	v49 =	vor.u32 s28, v0  }
0x5c: {  	v50 =	vor.u32 s10, v0;
	v51 =	vor.u32 s12, v0;
	v52 =	vor.u32 s29, v0  }
0x5d: {  	v17 =	vld.idx.msk [tilespmem:v17+s4+$0x0], $0xffff;
	v26 =	vbroadcast v18, $0x0;
	v18 =	vor.u32 s7, v0;
	v25 =	vor.u32 v25, v40  }
0x5e: {  	v27 =	vor.u32 v27, v43;
	v28 =	vor.u32 v28, v44;
	v29 =	vor.u32 v29, v45  }
0x5f: {  	v30 =	vor.u32 v30, v46;
	v31 =	vor.u32 v31, v47;
	v33 =	vand.u32 $0xFFFFFC00, v33  }
0x60: {  	v57 =	vor.u32 v35, v57;
	v58 =	vor.u32 v36, v58;
	v59 =	vor.u32 v37, v59  }
0x61: {  	v60 =	vor.u32 v38, v60;
	v61 =	vor.u32 v39, v61;
	v62 =	vor.u32 v41, v62  }
0x62: {  	v45 =	vor.u32 s23, v0;
	v46 =	vor.u32 s24, v0;
	vm0 =	vlt.s32 v17, $0x1FE  }
0x63: {  	v47 =	vor.u32 s25, v0;
	v25 =	vor.u32 v26, v25;
	v17 =	vnsel vm0, $0x1FE, v17  }
0x64: {  	s5 =	sadd.s32 $0x80, s5;
	v27 =	vor.u32 v26, v27;
	v28 =	vor.u32 v26, v28;
	v21 =	vadd.s32 $0x1, v17  }
0x65: {  	s1 =	simm.s32 $0x1;
	v29 =	vor.u32 v26, v29;
	v30 =	vor.u32 v26, v30;
	v31 =	vor.u32 v26, v31;
	[tilespmem:s5+$0x0] =	vst v21  }
0x66: {  	v33 =	vor.u32 v26, v33;
	v35 =	vor.u32 v26, v58;
	v36 =	vor.u32 v26, v59;
	_ =	swait.ge [sflag:s1], $0x1000  }
0x67: {  	s30 =	simm.s32 $0x0;
	v37 =	vor.u32 v26, v60;
	v38 =	vor.u32 v26, v61;
	v39 =	vor.u32 v26, v62;
	[sflag:s1] =	ssyncset.done $0x0  }
0x68: {  	v25 =	vadd.s32 $0x1000, v25;
	v27 =	vadd.s32 $0x1000, v27;
	v17 =	vmov s22;
	s5 =	sand.u32 $0x3FFFFF80, s30;
	[sflag:s1] =	ssyncadd.s32 $0xFFFFF000  }
0x69: {  	v28 =	vadd.s32 $0x1000, v28;
	v29 =	vadd.s32 $0x1000, v29;
	v17 =	vshll.u32 v17, $0x3;
	v21 =	vld [tilespmem:s5+$0x9080]  }
0x6a: {  	v30 =	vadd.s32 $0x1000, v30;
	v31 =	vadd.s32 $0x1000, v31;
	v17 =	vadd.s32 v2, v17  }
0x6b: {  	v33 =	vadd.s32 v5, v33;
	v41 =	vadd.s32 $0x1000, v35;
	v17 =	vand.u32 $0xFFFFFC00, v17  }
0x6c: {  	v43 =	vadd.s32 $0x1000, v37;
	v38 =	vadd.s32 $0x1000, v38;
	v17 =	vor.u32 v26, v17  }
0x6d: {  	v39 =	vadd.s32 $0x1000, v39;
	v20 =	vadd.s32 v3, v17;
	v17 =	vor.u32 s6, v0  }
0x6e: {  	v34 =	vadd.s32 $0x1000, v20;
	v20 =	vor.u32 s9, v0;
	vm0 =	veq.s32 v56, v21  }
0x6f: {  	vm1 =	vlt.s32 v56, v21;
	vm2 =	veq.s32 v19, v21;
	vm3 =	veq.s32 v20, v21  }
0x70: {  	vm4 =	veq.s32 v22, v21;
	vm5 =	veq.s32 v24, v21;
	vm6 =	veq.s32 v23, v21  }
0x71: {  	vm7 =	veq.s32 v45, v21;
	vm8 =	veq.s32 v46, v21;
	vm9 =	veq.s32 v47, v21  }
0x72: {  	vm11 =	veq.s32 v49, v21;
	vm12 =	veq.s32 v50, v21;
	vm13 =	veq.s32 v51, v21  }
0x73: {  	vm14 =	veq.s32 v52, v21;
	v34 =	vld.idx.msk [tilespmem:v34+s2+$0x0], $0xffff;
	v63 =	vsel vm0, $0x66, v4;
	vm0 =	veq.s32 v17, v21  }
0x74: {  	v61 =	vsel vm2, $0x66, v4;
	v7 =	vsel vm4, $0x66, v4;
	v8 =	vsel vm5, $0x66, v4  }
0x75: {  	v58 =	vld.idx.msk [tilespmem:v30+s2+$0x0], $0xffff;
	v37 =	vsel vm6, $0x66, v4;
	v35 =	vsel vm8, $0x66, v4;
	v30 =	vsel vm11, $0x66, v4  }
0x76: {  	v62 =	vld.idx.msk [tilespmem:v31+s2+$0x0], $0xffff;
	v31 =	vsel vm13, $0x66, v4;
	vm11 =	vlt.s32 v19, v21;
	vm13 =	vlt.s32 v22, v21  }
0x77: {  	v53 =	vld.idx.msk [tilespmem:v25+s2+$0x0], $0xffff;
	vm8 =	vlt.s32 v23, v21;
	vm5 =	vlt.s32 v46, v21;
	vm6 =	vlt.s32 v47, v21  }
0x78: {  	v54 =	vld.idx.msk [tilespmem:v27+s2+$0x0], $0xffff;
	vm2 =	vlt.s32 v50, v21;
	v56 =	vsel vm1, v34, v63;
	v34 =	vand.u32 $0xFFFFFC00, v48  }
0x79: {  	v19 =	vld.idx.msk [tilespmem:v43+s2+$0x0], $0xffff;
	v59 =	vsel vm0, $0x66, v4;
	v32 =	vor.u32 v32, v34;
	v34 =	vor.u32 v26, v57  }
0x7a: {  	v22 =	vld.idx.msk [tilespmem:v39+s2+$0x0], $0xffff;
	vm0 =	vlt.s32 v52, v21;
	v32 =	vor.u32 v26, v32;
	v40 =	vadd.s32 $0x1000, v34  }
0x7b: {  	v23 =	vsel vm13, v58, v7;
	v63 =	vand.u32 $0xFFFFFC00, v55;
	v55 =	vld.idx.msk [tilespmem:v28+s2+$0x0], $0xffff;
	v32 =	vadd.s32 $0x1000, v32  }
0x7c: {  	s8 =	sshll.u32 s26, $0x3;
	s11 =	sshll.u32 s29, $0x3;
	v48 =	vor.u32 s26, v0;
	v63 =	vor.u32 v42, v63;
	v42 =	vadd.s32 $0x1000, v36;
	v57 =	vld.idx.msk [tilespmem:v29+s2+$0x0], $0xffff  }
0x7d: {  	s15 =	sshll.u32 s23, $0x3;
	s4 =	sshll.u32 s22, $0x3;
	s8 =	sand.u32 $0xC00, s8;
	vm1 =	veq.s32 v18, v21;
	v28 =	vsel vm14, $0x66, v4;
	v29 =	vld.idx.msk [tilespmem:v41+s2+$0x0], $0xffff;
	v26 =	vor.u32 v26, v63  }
0x7e: {  	s31 =	sand.u32 $0xC00, s11;
	s10 =	sshll.u32 s10, $0x3;
	s7 =	sshll.u32 s25, $0x3;
	vm14 =	vlt.s32 v24, v21;
	vm10 =	veq.s32 v48, v21;
	v44 =	vadd.s32 $0x1000, v26;
	v26 =	vld.idx.msk [tilespmem:v33+s2+$0x0], $0xffff  }
0x7f: {  	s12 =	sshll.u32 s12, $0x3;
	s10 =	sand.u32 $0xC00, s10;
	s7 =	sand.u32 $0xC00, s7;
	v60 =	vsel vm1, $0x66, v4;
	v36 =	vsel vm7, $0x66, v4;
	vm7 =	vlt.s32 v45, v21;
	v27 =	vld.idx.msk [tilespmem:v40+s2+$0x0], $0xffff  }
0x80: {  	s12 =	sand.u32 $0xC00, s12;
	s4 =	sadd.s32 s5, s4;
	s3 =	sadd.s32 s5, s7;
	vm4 =	vlt.s32 v48, v21;
	vm1 =	vlt.s32 v51, v21;
	v34 =	vsel vm9, $0x66, v4;
	v25 =	vld.idx.msk [tilespmem:v32+s2+$0x0], $0xffff  }
0x81: {  	s14 =	sadd.s32 s5, s10;
	s16 =	sadd.s32 s5, s12;
	s6 =	sshll.u32 s24, $0x3;
	vm9 =	vlt.s32 v17, v21;
	v32 =	vsel vm10, $0x66, v4;
	vm10 =	vlt.s32 v18, v21;
	v18 =	vld.idx.msk [tilespmem:v42+s2+$0x0], $0xffff  }
0x82: {  	s13 =	sadd.s32 s5, s31;
	s9 =	sshll.u32 s28, $0x3;
	s6 =	sand.u32 $0xC00, s6;
	v33 =	vsel vm12, $0x66, v4;
	vm12 =	vlt.s32 v20, v21;
	v20 =	vld.idx.msk [tilespmem:v38+s2+$0x0], $0xffff;
	v17 =	vsel vm9, v53, v59  }
0x83: {  	s24 =	sadd.s32 s5, s8;
	s9 =	sand.u32 $0xC00, s9;
	s22 =	sadd.s32 s5, s6;
	v63 =	vsel vm3, $0x66, v4;
	vm3 =	vlt.s32 v49, v21;
	[tilespmem:s4+$0x5010] =	vst v17;
	v17 =	vsel vm14, v62, v8;
	v21 =	vld.idx.msk [tilespmem:v44+s2+$0x0], $0xffff  }
0x84: {  	s20 =	sadd.s32 s5, s9;
	s5 =	sadd.s32 s5, s15;
	s15 =	simm.s32 $0x0;
	[tilespmem:s4+$0x5000] =	vst v56;
	v38 =	vsel vm11, v55, v61;
	v24 =	vsel vm12, v57, v63;
	v39 =	vsel vm10, v54, v60  }
.LBB2_4:
0x85: {  	s15 =	sadd.s32 $0x10, s15;
	[tilespmem:s4+$0x5020] =	vst v39;
	v7 =	vsel vm8, v25, v37;
	v8 =	vsel vm7, v26, v36;
	v25 =	vsel vm5, v27, v35  }
0x86: {  	v26 =	vsel vm6, v29, v34;
	v27 =	vsel vm4, v18, v32;
	v19 =	vsel vm3, v19, v30;
	s0 =	sadd.s32 $0x100, s0;
	s6 =	sshrl.u32 s15, $0x5;
	p0 =	slt.u32 s15, $0xF0;
	[tilespmem:s4+$0x5030] =	vst v38  }
0x87: {  	v20 =	vsel vm2, v20, v33;
	v22 =	vsel vm1, v22, v31;
	s31 =	sand.u32 $0x100, s0;
	v18 =	vmov s6;
	[tilespmem:s4+$0x5040] =	vst v24  }
0x88: {  	v21 =	vsel vm0, v21, v28;
	v24 =	vmov s31;
	s8 =	sor.u32 $0x10, s31;
	s6 =	sor.u32 $0x20, s31;
	s7 =	sor.u32 $0x30, s31;
	v18 =	vshll.u32 v18, $0x7;
	[tilespmem:s4+$0x5050] =	vst v23  }
0x89: {  	s9 =	sor.u32 $0x40, s31;
	s10 =	sor.u32 $0x50, s31;
	s11 =	sor.u32 $0x60, s31;
	v23 =	vshll.u32 v24, $0x3;
	v24 =	vadd.s32 s8, v1;
	v18 =	vand.u32 $0x380, v18;
	[tilespmem:s4+$0x5060] =	vst v17  }
0x8a: {  	s12 =	sor.u32 $0x70, s31;
	s18 =	sor.u32 $0x80, s31;
	s19 =	sor.u32 $0x90, s31;
	v17 =	vadd.s32 v2, v23;
	v23 =	vadd.s32 s6, v1;
	v18 =	vbroadcast v18, $0x0;
	[tilespmem:s4+$0x5070] =	vst v7  }
0x8b: {  	s21 =	sor.u32 $0xA0, s31;
	s23 =	sor.u32 $0xB0, s31;
	s25 =	sor.u32 $0xC0, s31;
	v28 =	vadd.s32 s7, v1;
	v29 =	vadd.s32 s9, v1;
	v7 =	vand.u32 $0xFFFFFC00, v17;
	[tilespmem:s5+$0x5000] =	vst v8  }
0x8c: {  	s28 =	sor.u32 $0xD0, s31;
	s29 =	sor.u32 $0xE0, s31;
	s30 =	sor.u32 $0xF0, s31;
	v30 =	vadd.s32 s11, v1;
	v8 =	vadd.s32 s10, v1;
	v7 =	vor.u32 v18, v7;
	[tilespmem:s22+$0x5010] =	vst v25  }
0x8d: {  	v31 =	vmov s18;
	s26 =	sshll.u32 s23, $0x3;
	s4 =	sshll.u32 s19, $0x3;
	s5 =	sshll.u32 s21, $0x3;
	v25 =	vadd.s32 s12, v1;
	v7 =	vadd.s32 v3, v7;
	[tilespmem:s3+$0x5020] =	vst v26  }
0x8e: {  	v32 =	vadd.s32 s21, v1;
	s1 =	sshll.u32 s28, $0x3;
	s17 =	sshll.u32 s29, $0x3;
	v26 =	vadd.s32 s19, v1;
	s3 =	sshll.u32 s25, $0x3;
	v7 =	vadd.s32 $0x1000, v7;
	[tilespmem:s24+$0x5030] =	vst v27  }
0x8f: {  	v33 =	vadd.s32 s25, v1;
	v34 =	vadd.s32 s28, v1;
	s4 =	sand.u32 $0xC00, s4;
	s5 =	sand.u32 $0xC00, s5;
	v27 =	vadd.s32 s23, v1;
	s24 =	sshll.u32 s30, $0x3;
	[tilespmem:s20+$0x5040] =	vst v19  }
0x90: {  	v35 =	vadd.s32 s29, v1;
	v36 =	vadd.s32 s30, v1;
	s22 =	sshll.u32 s15, $0x2;
	v19 =	vshll.u32 v24, $0x3;
	s20 =	sand.u32 $0xC00, s26;
	s26 =	sand.u32 $0xC00, s3;
	[tilespmem:s14+$0x5050] =	vst v20  }
0x91: {  	v37 =	vshll.u32 v28, $0x3;
	v38 =	vshll.u32 v29, $0x3;
	s1 =	sand.u32 $0xC00, s1;
	s17 =	sand.u32 $0xC00, s17;
	s14 =	sand.u32 $0x3FFFFF80, s22;
	v20 =	vshll.u32 v23, $0x3;
	[tilespmem:s16+$0x5060] =	vst v22  }
0x92: {  	v39 =	vshll.u32 v30, $0x3;
	v40 =	vshll.u32 v25, $0x3;
	v22 =	vshll.u32 v8, $0x3;
	s16 =	sshll.u32 s18, $0x3;
	s22 =	sadd.s32 s14, s4;
	s4 =	sand.u32 $0xC00, s24;
	v17 =	vld [tilespmem:s14+$0x9080];
	[tilespmem:s13+$0x5070] =	vst v21  }
0x93: {  	v41 =	vshll.u32 v32, $0x3;
	s3 =	sadd.s32 s14, s5;
	s24 =	sadd.s32 s14, s20;
	s20 =	sadd.s32 s14, s26;
	v21 =	vshll.u32 v31, $0x3;
	v31 =	vshll.u32 v26, $0x3;
	v7 =	vld.idx.msk [tilespmem:v7+s2+$0x0], $0xffff  }
0x94: {  	v43 =	vshll.u32 v33, $0x3;
	v44 =	vshll.u32 v34, $0x3;
	v42 =	vshll.u32 v27, $0x3;
	s26 =	sadd.s32 s14, s1;
	s1 =	sadd.s32 s14, s17;
	s13 =	sadd.s32 s14, s4  }
0x95: {  	v45 =	vshll.u32 v35, $0x3;
	v46 =	vshll.u32 v36, $0x3;
	v19 =	vand.u32 $0xFFFFFC00, v19;
	s5 =	sadd.s32 s14, s16;
	s16 =	smov.u32 s1  }
0x96: {  	v47 =	vor.u32 s31, v0;
	v37 =	vand.u32 $0xFFFFFC00, v37;
	v20 =	vand.u32 $0xFFFFFC00, v20  }
0x97: {  	v38 =	vand.u32 $0xFFFFFC00, v38;
	v22 =	vand.u32 $0xFFFFFC00, v22;
	vm0 =	veq.s32 v47, v17  }
0x98: {  	v39 =	vand.u32 $0xFFFFFC00, v39;
	s1 =	sshll.u32 s31, $0x3;
	vm1 =	vlt.s32 v47, v17;
	v47 =	vsel vm0, $0x66, v4  }
0x99: {  	v40 =	vand.u32 $0xFFFFFC00, v40;
	s4 =	sadd.s32 s14, s1;
	s14 =	smov.u32 s26;
	v21 =	vadd.s32 v2, v21;
	v7 =	vsel vm1, v7, v47  }
0x9a: {  	[tilespmem:s4+$0x5000] =	vst v7;
	v7 =	vand.u32 $0xFFFFFC00, v31;
	v31 =	vand.u32 $0xFFFFFC00, v41;
	v41 =	vand.u32 $0xFFFFFC00, v42  }
0x9b: {  	v42 =	vand.u32 $0xFFFFFC00, v43;
	v43 =	vand.u32 $0xFFFFFC00, v44;
	v44 =	vand.u32 $0xFFFFFC00, v45  }
0x9c: {  	v24 =	vand.u32 $0x7F, v24;
	v23 =	vand.u32 $0x7F, v23;
	v45 =	vand.u32 $0xFFFFFC00, v46  }
0x9d: {  	v28 =	vand.u32 $0x7F, v28;
	v29 =	vand.u32 $0x7F, v29;
	v8 =	vand.u32 $0x7F, v8  }
0x9e: {  	v30 =	vand.u32 $0x7F, v30;
	v25 =	vand.u32 $0x7F, v25;
	v26 =	vand.u32 $0x7F, v26  }
0x9f: {  	v32 =	vand.u32 $0x7F, v32;
	v33 =	vand.u32 $0x7F, v33;
	v27 =	vand.u32 $0x7F, v27  }
0xa0: {  	v34 =	vand.u32 $0x7F, v34;
	v35 =	vand.u32 $0x7F, v35;
	v36 =	vand.u32 $0x7F, v36  }
0xa1: {  	v19 =	vor.u32 v24, v19;
	v20 =	vor.u32 v23, v20;
	v23 =	vor.u32 v28, v37  }
0xa2: {  	v24 =	vor.u32 v29, v38;
	v8 =	vor.u32 v8, v22;
	v22 =	vor.u32 v30, v39  }
0xa3: {  	v25 =	vor.u32 v25, v40;
	v21 =	vand.u32 $0xFFFFFC00, v21;
	v7 =	vor.u32 v26, v7  }
0xa4: {  	v26 =	vor.u32 v32, v31;
	v27 =	vor.u32 v27, v41;
	v28 =	vor.u32 v33, v42  }
0xa5: {  	v29 =	vor.u32 v34, v43;
	v30 =	vor.u32 v35, v44;
	v31 =	vor.u32 v36, v45  }
0xa6: {  	v19 =	vor.u32 v18, v19;
	v20 =	vor.u32 v18, v20;
	v23 =	vor.u32 v18, v23  }
0xa7: {  	v24 =	vor.u32 v18, v24;
	v8 =	vor.u32 v18, v8;
	v22 =	vor.u32 v18, v22  }
0xa8: {  	v25 =	vor.u32 v18, v25;
	v21 =	vor.u32 v18, v21;
	v7 =	vor.u32 v18, v7  }
0xa9: {  	v26 =	vor.u32 v18, v26;
	v27 =	vor.u32 v18, v27;
	v28 =	vor.u32 v18, v28  }
0xaa: {  	v29 =	vor.u32 v18, v29;
	v30 =	vor.u32 v18, v30;
	v18 =	vor.u32 v18, v31  }
0xab: {  	v19 =	vadd.s32 $0x1000, v19;
	v20 =	vadd.s32 $0x1000, v20;
	v23 =	vadd.s32 $0x1000, v23  }
0xac: {  	v24 =	vadd.s32 $0x1000, v24;
	v8 =	vadd.s32 $0x1000, v8;
	v22 =	vadd.s32 $0x1000, v22  }
0xad: {  	v25 =	vadd.s32 $0x1000, v25;
	v21 =	vadd.s32 v5, v21;
	v7 =	vadd.s32 $0x1000, v7  }
0xae: {  	v31 =	vadd.s32 $0x1000, v26;
	v32 =	vadd.s32 $0x1000, v27;
	v28 =	vadd.s32 $0x1000, v28  }
0xaf: {  	v33 =	vadd.s32 $0x1000, v29;
	v38 =	vadd.s32 $0x1000, v30;
	v39 =	vadd.s32 $0x1000, v18  }
0xb0: {  	v40 =	vor.u32 s8, v0;
	v42 =	vor.u32 s6, v0;
	v43 =	vor.u32 s7, v0;
	v41 =	vld.idx.msk [tilespmem:v19+s2+$0x0], $0xffff  }
0xb1: {  	v47 =	vor.u32 s11, v0;
	v46 =	vor.u32 s10, v0;
	v45 =	vor.u32 s9, v0;
	v44 =	vld.idx.msk [tilespmem:v20+s2+$0x0], $0xffff  }
0xb2: {  	v48 =	vor.u32 s12, v0;
	v49 =	vor.u32 s18, v0;
	v50 =	vor.u32 s19, v0;
	v23 =	vld.idx.msk [tilespmem:v23+s2+$0x0], $0xffff  }
0xb3: {  	v51 =	vor.u32 s21, v0;
	v52 =	vor.u32 s23, v0;
	v53 =	vor.u32 s25, v0;
	v24 =	vld.idx.msk [tilespmem:v24+s2+$0x0], $0xffff  }
0xb4: {  	v54 =	vor.u32 s28, v0;
	v55 =	vor.u32 s29, v0;
	v56 =	vor.u32 s30, v0;
	v8 =	vld.idx.msk [tilespmem:v8+s2+$0x0], $0xffff  }
0xb5: {  	vm0 =	veq.s32 v40, v17;
	vm1 =	veq.s32 v42, v17;
	vm2 =	veq.s32 v43, v17;
	v57 =	vld.idx.msk [tilespmem:v22+s2+$0x0], $0xffff  }
0xb6: {  	vm5 =	veq.s32 v47, v17;
	vm4 =	veq.s32 v46, v17;
	vm3 =	veq.s32 v45, v17;
	v25 =	vld.idx.msk [tilespmem:v25+s2+$0x0], $0xffff  }
0xb7: {  	vm6 =	veq.s32 v48, v17;
	vm7 =	veq.s32 v49, v17;
	vm8 =	veq.s32 v50, v17;
	v26 =	vld.idx.msk [tilespmem:v21+s2+$0x0], $0xffff  }
0xb8: {  	vm9 =	veq.s32 v51, v17;
	vm10 =	veq.s32 v52, v17;
	vm11 =	veq.s32 v53, v17;
	v27 =	vld.idx.msk [tilespmem:v7+s2+$0x0], $0xffff  }
0xb9: {  	vm12 =	veq.s32 v54, v17;
	vm13 =	veq.s32 v55, v17;
	vm14 =	veq.s32 v56, v17;
	v29 =	vld.idx.msk [tilespmem:v31+s2+$0x0], $0xffff  }
0xba: {  	v58 =	vsel vm1, $0x66, v4;
	v59 =	vsel vm2, $0x66, v4;
	v7 =	vsel vm0, $0x66, v4;
	v18 =	vld.idx.msk [tilespmem:v32+s2+$0x0], $0xffff  }
0xbb: {  	v62 =	vsel vm5, $0x66, v4;
	v61 =	vsel vm4, $0x66, v4;
	v60 =	vsel vm3, $0x66, v4;
	v19 =	vld.idx.msk [tilespmem:v28+s2+$0x0], $0xffff  }
0xbc: {  	v37 =	vsel vm6, $0x66, v4;
	v36 =	vsel vm7, $0x66, v4;
	v35 =	vsel vm8, $0x66, v4;
	v20 =	vld.idx.msk [tilespmem:v33+s2+$0x0], $0xffff  }
0xbd: {  	v34 =	vsel vm9, $0x66, v4;
	v30 =	vsel vm11, $0x66, v4;
	v32 =	vsel vm10, $0x66, v4;
	v22 =	vld.idx.msk [tilespmem:v38+s2+$0x0], $0xffff  }
0xbe: {  	v31 =	vsel vm13, $0x66, v4;
	v28 =	vsel vm14, $0x66, v4;
	v33 =	vsel vm12, $0x66, v4;
	v21 =	vld.idx.msk [tilespmem:v39+s2+$0x0], $0xffff  }
0xbf: {  	vm9 =	vlt.s32 v40, v17;
	vm11 =	vlt.s32 v43, v17;
	vm10 =	vlt.s32 v42, v17  }
0xc0: {  	vm13 =	vlt.s32 v46, v17;
	vm14 =	vlt.s32 v47, v17;
	vm12 =	vlt.s32 v45, v17  }
.Ltmp1:
0xc1: {  	vm8 =	vlt.s32 v48, v17;
	vm7 =	vlt.s32 v49, v17;
	vm5 =	vlt.s32 v50, v17;
	(pc) =	sbr.rel @p0 .LBB2_4-.Ltmp1, $4  }
0xc2: {  	vm6 =	vlt.s32 v51, v17;
	vm4 =	vlt.s32 v52, v17;
	vm3 =	vlt.s32 v53, v17  }
0xc3: {  	vm2 =	vlt.s32 v54, v17;
	vm1 =	vlt.s32 v55, v17;
	vm0 =	vlt.s32 v56, v17  }
0xc4: {  	v7 =	vsel vm9, v41, v7;
	v38 =	vsel vm11, v23, v59;
	v39 =	vsel vm10, v44, v58  }
0xc5: {  	v17 =	vsel vm14, v57, v62;
	v24 =	vsel vm12, v24, v60;
	v23 =	vsel vm13, v8, v61;
	[tilespmem:s4+$0x5010] =	vst v7  }
0xc6: {  	v7 =	vsel vm8, v25, v37  }
0xc7: {  	v8 =	vsel vm7, v26, v36;
	[tilespmem:s4+$0x5070] =	vst v7  }
0xc8: {  	v7 =	vsel vm5, v27, v35;
	[tilespmem:s5+$0x5000] =	vst v8  }
0xc9: {  	s0 =	simm.s32 $0x0;
	v8 =	vsel vm6, v29, v34;
	[tilespmem:s22+$0x5010] =	vst v7  }
0xca: {  	s28 =	sand.u32 $0x100, s0;
	v7 =	vsel vm4, v18, v32;
	[tilespmem:s3+$0x5020] =	vst v8  }
0xcb: {  	v8 =	vsel vm3, v19, v30;
	s29 =	sor.u32 $0x10, s28;
	s30 =	sor.u32 $0x20, s28;
	v54 =	vor.u32 s28, v0;
	[tilespmem:s24+$0x5030] =	vst v7;
	v7 =	vsel vm2, v20, v33  }
0xcc: {  	s7 =	sor.u32 $0x30, s28;
	s11 =	sor.u32 $0x50, s28;
	s31 =	sor.u32 $0x60, s28;
	[tilespmem:s20+$0x5040] =	vst v8;
	v8 =	vsel vm1, v22, v31;
	v25 =	vadd.s32 s29, v1;
	v26 =	vadd.s32 s30, v1  }
0xcd: {  	s3 =	sor.u32 $0x70, s28;
	s15 =	sor.u32 $0x80, s28;
	v27 =	vadd.s32 s7, v1;
	v29 =	vadd.s32 s11, v1;
	v30 =	vadd.s32 s31, v1  }
0xce: {  	s8 =	sor.u32 $0x40, s28;
	s17 =	sor.u32 $0xA0, s28;
	v31 =	vadd.s32 s3, v1;
	v61 =	vmov s15;
	v19 =	vor.u32 s29, v0  }
0xcf: {  	s10 =	sor.u32 $0xB0, s28;
	s18 =	sor.u32 $0xC0, s28;
	v20 =	vor.u32 s30, v0;
	v18 =	vor.u32 s8, v0;
	v62 =	vadd.s32 s17, v1  }
0xd0: {  	[tilespmem:s4+$0x5040] =	vst v24;
	s19 =	sor.u32 $0xD0, s28;
	v63 =	vadd.s32 s10, v1;
	v22 =	vor.u32 s11, v0;
	v57 =	vadd.s32 s18, v1  }
0xd1: {  	[tilespmem:s4+$0x5050] =	vst v23;
	s12 =	sor.u32 $0xE0, s28;
	s21 =	sor.u32 $0xF0, s28;
	v58 =	vadd.s32 s19, v1;
	v24 =	vor.u32 s31, v0;
	v23 =	vor.u32 s3, v0  }
0xd2: {  	v60 =	vadd.s32 s12, v1;
	v40 =	vadd.s32 s21, v1;
	[tilespmem:s14+$0x5050] =	vst v7;
	v7 =	vsel vm0, v21, v28  }
0xd3: {  	[tilespmem:s16+$0x5060] =	vst v8;
	v8 =	vmov s28;
	v28 =	vadd.s32 s8, v1;
	v21 =	vor.u32 s7, v0  }
0xd4: {  	v59 =	vshll.u32 v25, $0x3;
	v41 =	vshll.u32 v26, $0x3;
	v42 =	vshll.u32 v27, $0x3  }
0xd5: {  	v44 =	vshll.u32 v29, $0x3;
	v45 =	vshll.u32 v30, $0x3;
	v46 =	vshll.u32 v31, $0x3  }
0xd6: {  	v32 =	vshll.u32 v61, $0x3;
	v48 =	vshll.u32 v62, $0x3;
	v49 =	vshll.u32 v63, $0x3  }
0xd7: {  	v50 =	vshll.u32 v57, $0x3;
	v51 =	vshll.u32 v58, $0x3;
	v52 =	vshll.u32 v60, $0x3  }
0xd8: {  	v53 =	vshll.u32 v40, $0x3;
	v25 =	vand.u32 $0x7F, v25;
	v26 =	vand.u32 $0x7F, v26  }
0xd9: {  	v27 =	vand.u32 $0x7F, v27;
	v29 =	vand.u32 $0x7F, v29;
	v30 =	vand.u32 $0x7F, v30  }
0xda: {  	v31 =	vand.u32 $0x7F, v31;
	v34 =	vand.u32 $0x7F, v62;
	v35 =	vand.u32 $0x7F, v63  }
0xdb: {  	[tilespmem:s4+$0x5020] =	vst v39;
	v36 =	vand.u32 $0x7F, v57;
	v37 =	vand.u32 $0x7F, v58;
	v39 =	vand.u32 $0x7F, v60  }
0xdc: {  	s16 =	sor.u32 $0x90, s28;
	v40 =	vand.u32 $0x7F, v40;
	[tilespmem:s13+$0x5070] =	vst v7;
	v7 =	vimm.s32 $0x80;
	v8 =	vshll.u32 v8, $0x3  }
0xdd: {  	[tilespmem:s4+$0x5030] =	vst v38;
	v33 =	vadd.s32 s16, v1;
	v43 =	vshll.u32 v28, $0x3;
	v38 =	vand.u32 $0xFFFFFC00, v59  }
0xde: {  	v41 =	vand.u32 $0xFFFFFC00, v41;
	v42 =	vand.u32 $0xFFFFFC00, v42;
	v44 =	vand.u32 $0xFFFFFC00, v44  }
0xdf: {  	v45 =	vand.u32 $0xFFFFFC00, v45;
	v46 =	vand.u32 $0xFFFFFC00, v46;
	v32 =	vadd.s32 v2, v32  }
0xe0: {  	v48 =	vand.u32 $0xFFFFFC00, v48;
	v49 =	vand.u32 $0xFFFFFC00, v49;
	v50 =	vand.u32 $0xFFFFFC00, v50  }
0xe1: {  	[tilespmem:s4+$0x5060] =	vst v17;
	s9 =	simm.s32 $0x5000;
	v51 =	vand.u32 $0xFFFFFC00, v51;
	v52 =	vand.u32 $0xFFFFFC00, v52;
	v53 =	vand.u32 $0xFFFFFC00, v53  }
0xe2: {  	v28 =	vand.u32 $0x7F, v28;
	[tilespmem:v4+s9+$0x0] =	vst.idx.msk $0x1, v6;
	v8 =	vadd.s32 v2, v8;
	v47 =	vshll.u32 v33, $0x3  }
0xe3: {  	v43 =	vand.u32 $0xFFFFFC00, v43;
	v33 =	vand.u32 $0x7F, v33;
	[tilespmem:v7+s9+$0x0] =	vst.idx.msk $0x1, v6;
	v7 =	vimm.s32 $0x100  }
0xe4: {  	v25 =	vor.u32 v25, v38;
	v26 =	vor.u32 v26, v41;
	v27 =	vor.u32 v27, v42  }
0xe5: {  	v29 =	vor.u32 v29, v44;
	v30 =	vor.u32 v30, v45;
	v31 =	vor.u32 v31, v46  }
0xe6: {  	v32 =	vand.u32 $0xFFFFFC00, v32;
	v34 =	vor.u32 v34, v48;
	v35 =	vor.u32 v35, v49  }
0xe7: {  	s1 =	simm.s32 $0x0;
	v36 =	vor.u32 v36, v50;
	v37 =	vor.u32 v37, v51;
	v62 =	vor.u32 v39, v52  }
0xe8: {  	v63 =	vor.u32 v40, v53;
	v44 =	vor.u32 s16, v0;
	[tilespmem:v7+s9+$0x0] =	vst.idx.msk $0x1, v6;
	v7 =	vmov s1  }
0xe9: {  	v45 =	vor.u32 s17, v0;
	v46 =	vor.u32 s10, v0;
	[tilespmem:v9+s9+$0x0] =	vst.idx.msk $0x1, v6;
	v7 =	vshll.u32 v7, $0x7  }
0xea: {  	v48 =	vor.u32 s19, v0;
	v49 =	vor.u32 s12, v0;
	[tilespmem:v10+s9+$0x0] =	vst.idx.msk $0x1, v6;
	v7 =	vand.u32 $0x380, v7  }
0xeb: {  	v50 =	vor.u32 s21, v0;
	v8 =	vand.u32 $0xFFFFFC00, v8;
	[tilespmem:v11+s9+$0x0] =	vst.idx.msk $0x1, v6;
	v7 =	vbroadcast v7, $0x0  }
0xec: {  	v47 =	vand.u32 $0xFFFFFC00, v47;
	v28 =	vor.u32 v28, v43;
	v43 =	vor.u32 s15, v0;
	[tilespmem:v12+s9+$0x0] =	vst.idx.msk $0x1, v6  }
0xed: {  	v33 =	vor.u32 v33, v47;
	v47 =	vor.u32 s18, v0;
	[tilespmem:v13+s9+$0x0] =	vst.idx.msk $0x1, v6;
	v8 =	vor.u32 v7, v8  }
0xee: {  	s20 =	simm.s32 $0x2;
	s6 =	rddreg [dreg:$0x9];
	v25 =	vor.u32 v7, v25;
	v26 =	vor.u32 v7, v26;
	v27 =	vor.u32 v7, v27  }
0xef: {  	v28 =	vor.u32 v7, v28;
	v29 =	vor.u32 v7, v29;
	v30 =	vor.u32 v7, v30;
	[hbm4b:s6+s0] =	stream.linear.scatter [tilespmem:s9], [sflag:$0x5], $0x1000, $0x38;
	[tilespmem:$0xA080] =	vst v63  }
0xf0: {  	v31 =	vor.u32 v7, v31;
	v32 =	vor.u32 v7, v32;
	v33 =	vor.u32 v7, v33;
	_ =	swait.ge [sflag:s20], $0x1000  }
0xf1: {  	s22 =	simm.s32 $0x0;
	v34 =	vor.u32 v7, v34;
	v35 =	vor.u32 v7, v35;
	v36 =	vor.u32 v7, v36;
	[sflag:s20] =	ssyncset.done $0x0  }
0xf2: {  	s23 =	sand.u32 $0x3FFFFF80, s22;
	v37 =	vor.u32 v7, v37;
	v38 =	vor.u32 v7, v62;
	v7 =	vor.u32 v7, v63;
	[sflag:s20] =	ssyncadd.s32 $0xFFFFF000  }
0xf3: {  	v8 =	vadd.s32 v3, v8;
	v25 =	vadd.s32 $0x2000, v25;
	v26 =	vadd.s32 $0x2000, v26;
	v17 =	vld [tilespmem:s23+$0x9480]  }
0xf4: {  	v27 =	vadd.s32 $0x2000, v27;
	v28 =	vadd.s32 $0x2000, v28;
	v29 =	vadd.s32 $0x2000, v29  }
0xf5: {  	v30 =	vadd.s32 $0x2000, v30;
	v31 =	vadd.s32 $0x2000, v31;
	v32 =	vadd.s32 v14, v32  }
0xf6: {  	v33 =	vadd.s32 $0x2000, v33;
	v39 =	vadd.s32 $0x2000, v34;
	v40 =	vadd.s32 $0x2000, v35  }
0xf7: {  	v41 =	vadd.s32 $0x2000, v36;
	v42 =	vadd.s32 $0x2000, v37;
	v38 =	vadd.s32 $0x2000, v38  }
0xf8: {  	v7 =	vadd.s32 $0x2000, v7;
	v8 =	vadd.s32 $0x2000, v8;
	vm0 =	veq.s32 v54, v17  }
0xf9: {  	v51 =	vld.idx.msk [tilespmem:v25+s2+$0x0], $0xffff;
	vm1 =	vlt.s32 v54, v17;
	vm2 =	veq.s32 v21, v17;
	vm3 =	veq.s32 v18, v17  }
0xfa: {  	v52 =	vld.idx.msk [tilespmem:v26+s2+$0x0], $0xffff;
	vm4 =	veq.s32 v22, v17;
	vm5 =	veq.s32 v24, v17;
	vm6 =	veq.s32 v23, v17  }
0xfb: {  	v53 =	vld.idx.msk [tilespmem:v27+s2+$0x0], $0xffff;
	vm7 =	veq.s32 v43, v17;
	vm8 =	veq.s32 v44, v17;
	vm9 =	veq.s32 v45, v17  }
0xfc: {  	v59 =	vld.idx.msk [tilespmem:v30+s2+$0x0], $0xffff;
	vm10 =	veq.s32 v46, v17;
	vm11 =	veq.s32 v47, v17;
	vm12 =	veq.s32 v48, v17  }
0xfd: {  	v25 =	vld.idx.msk [tilespmem:v31+s2+$0x0], $0xffff;
	vm13 =	veq.s32 v49, v17;
	vm14 =	veq.s32 v50, v17;
	v61 =	vsel vm0, $0x66, v4  }
0xfe: {  	v26 =	vld.idx.msk [tilespmem:v32+s2+$0x0], $0xffff;
	vm0 =	veq.s32 v19, v17;
	v58 =	vsel vm2, $0x66, v4;
	v60 =	vsel vm3, $0x66, v4  }
0xff: {  	v8 =	vld.idx.msk [tilespmem:v8+s2+$0x0], $0xffff;
	v62 =	vsel vm5, $0x66, v4;
	v37 =	vsel vm6, $0x66, v4;
	v36 =	vsel vm7, $0x66, v4  }
0x100: {  	v54 =	vld.idx.msk [tilespmem:v28+s2+$0x0], $0xffff;
	v35 =	vsel vm8, $0x66, v4;
	v34 =	vsel vm9, $0x66, v4;
	v32 =	vsel vm10, $0x66, v4  }
0x101: {  	v28 =	vld.idx.msk [tilespmem:v33+s2+$0x0], $0xffff;
	v31 =	vsel vm11, $0x66, v4;
	v33 =	vsel vm12, $0x66, v4;
	v30 =	vsel vm13, $0x66, v4  }
0x102: {  	s24 =	sshll.u32 s28, $0x3;
	s26 =	sshll.u32 s17, $0x3;
	v55 =	vld.idx.msk [tilespmem:v29+s2+$0x0], $0xffff;
	v27 =	vsel vm14, $0x66, v4;
	vm9 =	vlt.s32 v19, v17;
	vm10 =	vlt.s32 v20, v17  }
0x103: {  	s29 =	sshll.u32 s12, $0x3;
	s11 =	sshll.u32 s21, $0x3;
	s30 =	sshll.u32 s15, $0x3;
	v29 =	vld.idx.msk [tilespmem:v39+s2+$0x0], $0xffff;
	vm11 =	vlt.s32 v21, v17;
	vm12 =	vlt.s32 v18, v17;
	vm13 =	vlt.s32 v22, v17  }
0x104: {  	s4 =	sadd.s32 s23, s24;
	s28 =	sshll.u32 s10, $0x3;
	s7 =	sshll.u32 s18, $0x3;
	v19 =	vld.idx.msk [tilespmem:v40+s2+$0x0], $0xffff;
	vm14 =	vlt.s32 v24, v17;
	vm8 =	vlt.s32 v23, v17;
	vm7 =	vlt.s32 v43, v17  }
0x105: {  	s8 =	sshll.u32 s19, $0x3;
	s31 =	sand.u32 $0xC00, s11;
	s5 =	sadd.s32 s23, s30;
	v18 =	vld.idx.msk [tilespmem:v41+s2+$0x0], $0xffff;
	vm5 =	vlt.s32 v44, v17;
	vm6 =	vlt.s32 v45, v17;
	vm3 =	vlt.s32 v47, v17  }
0x106: {  	s25 =	sshll.u32 s16, $0x3;
	s7 =	sand.u32 $0xC00, s7;
	s8 =	sand.u32 $0xC00, s8;
	v22 =	vld.idx.msk [tilespmem:v38+s2+$0x0], $0xffff;
	vm2 =	vlt.s32 v48, v17;
	v8 =	vsel vm1, v8, v61;
	vm1 =	veq.s32 v20, v17  }
0x107: {  	s13 =	sadd.s32 s23, s31;
	s10 =	sand.u32 $0xC00, s29;
	s16 =	sadd.s32 s23, s8;
	v21 =	vld.idx.msk [tilespmem:v7+s2+$0x0], $0xffff;
	v56 =	vsel vm0, $0x66, v4;
	v61 =	vsel vm4, $0x66, v4;
	vm4 =	vlt.s32 v46, v17  }
0x108: {  	s17 =	sadd.s32 s23, s10;
	s15 =	simm.s32 $0x0;
	s1 =	sand.u32 $0xC00, s25;
	v20 =	vld.idx.msk [tilespmem:v42+s2+$0x0], $0xffff;
	vm0 =	vlt.s32 v50, v17;
	v38 =	vsel vm11, v53, v58;
	v57 =	vsel vm1, $0x66, v4  }
0x109: {  	s22 =	sadd.s32 s23, s1;
	s6 =	sand.u32 $0xC00, s26;
	s9 =	sand.u32 $0xC00, s28;
	[tilespmem:s4+$0x6000] =	vst v8;
	vm1 =	vlt.s32 v49, v17;
	v7 =	vsel vm9, v51, v56;
	v23 =	vsel vm13, v55, v61  }
0x10a: {  	s26 =	sadd.s32 s23, s7;
	s3 =	sadd.s32 s23, s6;
	s24 =	sadd.s32 s23, s9;
	v17 =	vsel vm14, v59, v62;
	v39 =	vsel vm10, v52, v57;
	[tilespmem:s4+$0x6010] =	vst v7;
	v24 =	vsel vm12, v54, v60  }
.LBB2_6:
0x10b: {  	s15 =	sadd.s32 $0x10, s15;
	[tilespmem:s4+$0x6020] =	vst v39;
	v7 =	vsel vm8, v25, v37;
	v8 =	vsel vm7, v26, v36;
	v25 =	vsel vm5, v28, v35;
	s2 =	sadd.s32 $0x100, s0  }
0x10c: {  	v26 =	vsel vm6, v29, v34;
	v19 =	vsel vm4, v19, v32;
	v28 =	vsel vm3, v18, v31;
	s1 =	sshrl.u32 s15, $0x5;
	p0 =	slt.u32 s15, $0xF0;
	[tilespmem:s4+$0x6030] =	vst v38;
	s12 =	sand.u32 $0x100, s2  }
0x10d: {  	v20 =	vsel vm2, v20, v33;
	v22 =	vsel vm1, v22, v30;
	s0 =	smov.u32 s17;
	v18 =	vmov s1;
	[tilespmem:s4+$0x6040] =	vst v24;
	s8 =	sor.u32 $0x10, s12;
	s6 =	sor.u32 $0x20, s12  }
0x10e: {  	v21 =	vsel vm0, v21, v27;
	v24 =	vmov s12;
	s7 =	sor.u32 $0x30, s12;
	s9 =	sor.u32 $0x40, s12;
	s10 =	sor.u32 $0x50, s12;
	v18 =	vshll.u32 v18, $0x7;
	[tilespmem:s4+$0x6050] =	vst v23  }
0x10f: {  	s11 =	sor.u32 $0x60, s12;
	s18 =	sor.u32 $0x70, s12;
	s19 =	sor.u32 $0x80, s12;
	v23 =	vshll.u32 v24, $0x3;
	v24 =	vadd.s32 s8, v1;
	v18 =	vand.u32 $0x380, v18;
	[tilespmem:s4+$0x6060] =	vst v17  }
0x110: {  	s21 =	sor.u32 $0x90, s12;
	s23 =	sor.u32 $0xA0, s12;
	s25 =	sor.u32 $0xB0, s12;
	v17 =	vadd.s32 v2, v23;
	v23 =	vadd.s32 s6, v1;
	v18 =	vbroadcast v18, $0x0;
	[tilespmem:s4+$0x6070] =	vst v7  }
0x111: {  	s28 =	sor.u32 $0xC0, s12;
	s29 =	sor.u32 $0xD0, s12;
	s30 =	sor.u32 $0xE0, s12;
	v27 =	vadd.s32 s7, v1;
	v29 =	vadd.s32 s9, v1;
	v7 =	vand.u32 $0xFFFFFC00, v17;
	[tilespmem:s5+$0x6000] =	vst v8  }
0x112: {  	s31 =	sor.u32 $0xF0, s12;
	v30 =	vadd.s32 s11, v1;
	s1 =	sshll.u32 s21, $0x3;
	s17 =	sshll.u32 s29, $0x3;
	v8 =	vadd.s32 s10, v1;
	v7 =	vor.u32 v18, v7;
	[tilespmem:s22+$0x6010] =	vst v25  }
0x113: {  	v31 =	vmov s19;
	s20 =	sshll.u32 s30, $0x3;
	s4 =	sshll.u32 s23, $0x3;
	s5 =	sshll.u32 s25, $0x3;
	v25 =	vadd.s32 s18, v1;
	v7 =	vadd.s32 v3, v7;
	[tilespmem:s3+$0x6020] =	vst v26  }
0x114: {  	v32 =	vadd.s32 s23, v1;
	s1 =	sand.u32 $0xC00, s1;
	s4 =	sand.u32 $0xC00, s4;
	v26 =	vadd.s32 s21, v1;
	s3 =	sshll.u32 s28, $0x3;
	v7 =	vadd.s32 $0x2000, v7;
	[tilespmem:s24+$0x6030] =	vst v19  }
0x115: {  	v33 =	vadd.s32 s28, v1;
	v34 =	vadd.s32 s29, v1;
	s22 =	sshll.u32 s15, $0x2;
	s5 =	sand.u32 $0xC00, s5;
	v19 =	vadd.s32 s25, v1;
	s24 =	sshll.u32 s31, $0x3;
	[tilespmem:s26+$0x6040] =	vst v28  }
0x116: {  	v35 =	vadd.s32 s30, v1;
	v36 =	vadd.s32 s31, v1;
	s14 =	sand.u32 $0x3FFFFF80, s22;
	v28 =	vshll.u32 v24, $0x3;
	s26 =	sand.u32 $0xC00, s3;
	[tilespmem:s16+$0x6050] =	vst v20;
	s16 =	sand.u32 $0xC00, s17  }
0x117: {  	v37 =	vshll.u32 v27, $0x3;
	v38 =	vshll.u32 v29, $0x3;
	v20 =	vshll.u32 v23, $0x3;
	s17 =	sand.u32 $0xC00, s20;
	[tilespmem:s0+$0x6060] =	vst v22;
	s0 =	smov.u32 s2;
	s2 =	simm.s32 $0x0  }
0x118: {  	v39 =	vshll.u32 v30, $0x3;
	v40 =	vshll.u32 v25, $0x3;
	s22 =	sadd.s32 s14, s1;
	s1 =	sand.u32 $0xC00, s24;
	s20 =	sshll.u32 s19, $0x3;
	v22 =	vshll.u32 v8, $0x3;
	v17 =	vld [tilespmem:s14+$0x9480];
	[tilespmem:s13+$0x6070] =	vst v21  }
0x119: {  	v41 =	vshll.u32 v32, $0x3;
	s3 =	sadd.s32 s14, s4;
	s24 =	sadd.s32 s14, s5;
	s26 =	sadd.s32 s14, s26;
	v21 =	vshll.u32 v31, $0x3;
	v31 =	vshll.u32 v26, $0x3;
	v7 =	vld.idx.msk [tilespmem:v7+s2+$0x0], $0xffff  }
0x11a: {  	v43 =	vshll.u32 v33, $0x3;
	v44 =	vshll.u32 v34, $0x3;
	v42 =	vshll.u32 v19, $0x3;
	s16 =	sadd.s32 s14, s16;
	s17 =	sadd.s32 s14, s17;
	s13 =	sadd.s32 s14, s1  }
0x11b: {  	v45 =	vshll.u32 v35, $0x3;
	v46 =	vshll.u32 v36, $0x3;
	v28 =	vand.u32 $0xFFFFFC00, v28;
	s5 =	sadd.s32 s14, s20  }
0x11c: {  	v47 =	vor.u32 s12, v0;
	v37 =	vand.u32 $0xFFFFFC00, v37;
	v20 =	vand.u32 $0xFFFFFC00, v20  }
0x11d: {  	v38 =	vand.u32 $0xFFFFFC00, v38;
	v22 =	vand.u32 $0xFFFFFC00, v22;
	vm0 =	veq.s32 v47, v17  }
0x11e: {  	v39 =	vand.u32 $0xFFFFFC00, v39;
	s1 =	sshll.u32 s12, $0x3;
	vm1 =	vlt.s32 v47, v17;
	v47 =	vsel vm0, $0x66, v4  }
0x11f: {  	v40 =	vand.u32 $0xFFFFFC00, v40;
	s4 =	sadd.s32 s14, s1;
	v21 =	vadd.s32 v2, v21;
	v7 =	vsel vm1, v7, v47  }
0x120: {  	s12 =	simm.s32 $0x8;
	[tilespmem:s4+$0x6000] =	vst v7;
	v7 =	vand.u32 $0xFFFFFC00, v31;
	v31 =	vand.u32 $0xFFFFFC00, v41;
	v41 =	vand.u32 $0xFFFFFC00, v42  }
0x121: {  	v42 =	vand.u32 $0xFFFFFC00, v43;
	v43 =	vand.u32 $0xFFFFFC00, v44;
	v44 =	vand.u32 $0xFFFFFC00, v45  }
0x122: {  	v24 =	vand.u32 $0x7F, v24;
	v23 =	vand.u32 $0x7F, v23;
	v45 =	vand.u32 $0xFFFFFC00, v46  }
0x123: {  	v27 =	vand.u32 $0x7F, v27;
	v29 =	vand.u32 $0x7F, v29;
	v8 =	vand.u32 $0x7F, v8  }
0x124: {  	v30 =	vand.u32 $0x7F, v30;
	v25 =	vand.u32 $0x7F, v25;
	v26 =	vand.u32 $0x7F, v26  }
0x125: {  	v32 =	vand.u32 $0x7F, v32;
	v33 =	vand.u32 $0x7F, v33;
	v19 =	vand.u32 $0x7F, v19  }
0x126: {  	v34 =	vand.u32 $0x7F, v34;
	v35 =	vand.u32 $0x7F, v35;
	v36 =	vand.u32 $0x7F, v36  }
0x127: {  	v24 =	vor.u32 v24, v28;
	v20 =	vor.u32 v23, v20;
	v23 =	vor.u32 v27, v37  }
0x128: {  	v27 =	vor.u32 v29, v38;
	v8 =	vor.u32 v8, v22;
	v22 =	vor.u32 v30, v39  }
0x129: {  	v25 =	vor.u32 v25, v40;
	v21 =	vand.u32 $0xFFFFFC00, v21;
	v7 =	vor.u32 v26, v7  }
0x12a: {  	v26 =	vor.u32 v32, v31;
	v19 =	vor.u32 v19, v41;
	v28 =	vor.u32 v33, v42  }
0x12b: {  	v29 =	vor.u32 v34, v43;
	v30 =	vor.u32 v35, v44;
	v31 =	vor.u32 v36, v45  }
0x12c: {  	v24 =	vor.u32 v18, v24;
	v20 =	vor.u32 v18, v20;
	v23 =	vor.u32 v18, v23  }
0x12d: {  	v27 =	vor.u32 v18, v27;
	v8 =	vor.u32 v18, v8;
	v22 =	vor.u32 v18, v22  }
0x12e: {  	v25 =	vor.u32 v18, v25;
	v21 =	vor.u32 v18, v21;
	v7 =	vor.u32 v18, v7  }
0x12f: {  	v26 =	vor.u32 v18, v26;
	v19 =	vor.u32 v18, v19;
	v28 =	vor.u32 v18, v28  }
0x130: {  	v29 =	vor.u32 v18, v29;
	v30 =	vor.u32 v18, v30;
	v18 =	vor.u32 v18, v31  }
0x131: {  	v24 =	vadd.s32 $0x2000, v24;
	v20 =	vadd.s32 $0x2000, v20;
	v23 =	vadd.s32 $0x2000, v23  }
0x132: {  	v27 =	vadd.s32 $0x2000, v27;
	v8 =	vadd.s32 $0x2000, v8;
	v22 =	vadd.s32 $0x2000, v22  }
0x133: {  	v25 =	vadd.s32 $0x2000, v25;
	v21 =	vadd.s32 v14, v21;
	v7 =	vadd.s32 $0x2000, v7  }
0x134: {  	v31 =	vadd.s32 $0x2000, v26;
	v19 =	vadd.s32 $0x2000, v19;
	v32 =	vadd.s32 $0x2000, v28  }
0x135: {  	v33 =	vadd.s32 $0x2000, v29;
	v30 =	vadd.s32 $0x2000, v30;
	v38 =	vadd.s32 $0x2000, v18  }
0x136: {  	v40 =	vor.u32 s6, v0;
	v39 =	vor.u32 s8, v0;
	v41 =	vor.u32 s7, v0;
	v24 =	vld.idx.msk [tilespmem:v24+s2+$0x0], $0xffff  }
0x137: {  	v43 =	vor.u32 s9, v0;
	v44 =	vor.u32 s10, v0;
	v45 =	vor.u32 s11, v0;
	v42 =	vld.idx.msk [tilespmem:v20+s2+$0x0], $0xffff  }
0x138: {  	v48 =	vor.u32 s21, v0;
	v47 =	vor.u32 s19, v0;
	v46 =	vor.u32 s18, v0;
	v23 =	vld.idx.msk [tilespmem:v23+s2+$0x0], $0xffff  }
0x139: {  	v50 =	vor.u32 s23, v0;
	v51 =	vor.u32 s25, v0;
	v52 =	vor.u32 s28, v0;
	v49 =	vld.idx.msk [tilespmem:v27+s2+$0x0], $0xffff  }
0x13a: {  	v53 =	vor.u32 s29, v0;
	v54 =	vor.u32 s30, v0;
	v55 =	vor.u32 s31, v0;
	v8 =	vld.idx.msk [tilespmem:v8+s2+$0x0], $0xffff  }
0x13b: {  	vm0 =	veq.s32 v39, v17;
	vm1 =	veq.s32 v40, v17;
	vm2 =	veq.s32 v41, v17;
	v56 =	vld.idx.msk [tilespmem:v22+s2+$0x0], $0xffff  }
0x13c: {  	vm3 =	veq.s32 v43, v17;
	vm4 =	veq.s32 v44, v17;
	vm5 =	veq.s32 v45, v17;
	v25 =	vld.idx.msk [tilespmem:v25+s2+$0x0], $0xffff  }
0x13d: {  	vm8 =	veq.s32 v48, v17;
	vm7 =	veq.s32 v47, v17;
	vm6 =	veq.s32 v46, v17;
	v26 =	vld.idx.msk [tilespmem:v21+s2+$0x0], $0xffff  }
0x13e: {  	vm9 =	veq.s32 v50, v17;
	vm10 =	veq.s32 v51, v17;
	vm11 =	veq.s32 v52, v17;
	v28 =	vld.idx.msk [tilespmem:v7+s2+$0x0], $0xffff  }
0x13f: {  	vm12 =	veq.s32 v53, v17;
	vm13 =	veq.s32 v54, v17;
	vm14 =	veq.s32 v55, v17;
	v29 =	vld.idx.msk [tilespmem:v31+s2+$0x0], $0xffff  }
0x140: {  	v57 =	vsel vm1, $0x66, v4;
	v58 =	vsel vm2, $0x66, v4;
	v7 =	vsel vm0, $0x66, v4;
	v19 =	vld.idx.msk [tilespmem:v19+s2+$0x0], $0xffff  }
0x141: {  	v59 =	vsel vm3, $0x66, v4;
	v60 =	vsel vm4, $0x66, v4;
	v61 =	vsel vm5, $0x66, v4;
	v18 =	vld.idx.msk [tilespmem:v32+s2+$0x0], $0xffff  }
0x142: {  	v36 =	vsel vm7, $0x66, v4;
	v35 =	vsel vm8, $0x66, v4;
	v37 =	vsel vm6, $0x66, v4;
	v20 =	vld.idx.msk [tilespmem:v33+s2+$0x0], $0xffff  }
0x143: {  	v34 =	vsel vm9, $0x66, v4;
	v31 =	vsel vm11, $0x66, v4;
	v32 =	vsel vm10, $0x66, v4;
	v22 =	vld.idx.msk [tilespmem:v30+s2+$0x0], $0xffff  }
0x144: {  	v27 =	vsel vm14, $0x66, v4;
	v33 =	vsel vm12, $0x66, v4;
	v30 =	vsel vm13, $0x66, v4;
	v21 =	vld.idx.msk [tilespmem:v38+s2+$0x0], $0xffff  }
0x145: {  	vm9 =	vlt.s32 v39, v17;
	vm11 =	vlt.s32 v41, v17;
	vm10 =	vlt.s32 v40, v17  }
0x146: {  	vm14 =	vlt.s32 v45, v17;
	vm12 =	vlt.s32 v43, v17;
	vm13 =	vlt.s32 v44, v17  }
.Ltmp2:
0x147: {  	vm8 =	vlt.s32 v46, v17;
	vm7 =	vlt.s32 v47, v17;
	vm5 =	vlt.s32 v48, v17;
	(pc) =	sbr.rel @p0 .LBB2_6-.Ltmp2, $4  }
0x148: {  	vm6 =	vlt.s32 v50, v17;
	vm4 =	vlt.s32 v51, v17;
	vm3 =	vlt.s32 v52, v17  }
0x149: {  	vm1 =	vlt.s32 v54, v17;
	vm2 =	vlt.s32 v53, v17;
	vm0 =	vlt.s32 v55, v17  }
0x14a: {  	v7 =	vsel vm9, v24, v7;
	v39 =	vsel vm10, v42, v57;
	v38 =	vsel vm11, v23, v58  }
0x14b: {  	v24 =	vsel vm12, v49, v59;
	v17 =	vsel vm14, v56, v61;
	v23 =	vsel vm13, v8, v60;
	[tilespmem:s4+$0x6010] =	vst v7  }
0x14c: {  	[tilespmem:s4+$0x6020] =	vst v39  }
0x14d: {  	[tilespmem:s4+$0x6030] =	vst v38  }
0x14e: {  	[tilespmem:s4+$0x6040] =	vst v24  }
0x14f: {  	[tilespmem:s4+$0x6050] =	vst v23  }
0x150: {  	v7 =	vsel vm8, v25, v37;
	[tilespmem:s4+$0x6060] =	vst v17  }
0x151: {  	v8 =	vsel vm7, v26, v36;
	[tilespmem:s4+$0x6070] =	vst v7  }
0x152: {  	v7 =	vsel vm5, v28, v35;
	[tilespmem:s5+$0x6000] =	vst v8  }
0x153: {  	v8 =	vsel vm6, v29, v34;
	[tilespmem:s22+$0x6010] =	vst v7  }
0x154: {  	v7 =	vsel vm4, v19, v32;
	[tilespmem:s3+$0x6020] =	vst v8  }
0x155: {  	v8 =	vsel vm3, v18, v31;
	[tilespmem:s24+$0x6030] =	vst v7  }
0x156: {  	v7 =	vsel vm2, v20, v33;
	[tilespmem:s26+$0x6040] =	vst v8;
	v8 =	vmov s12  }
0x157: {  	v17 =	vsel vm1, v22, v30;
	[tilespmem:s16+$0x6050] =	vst v7;
	v7 =	vshll.u32 v8, $0x9;
	v8 =	vshll.u32 v8, $0x7  }
0x158: {  	[tilespmem:s17+$0x6060] =	vst v17;
	v18 =	vsel vm0, v21, v27;
	v7 =	vand.u32 $0x1000, v7;
	v8 =	vand.u32 $0x380, v8  }
0x159: {  	s0 =	simm.s32 $0x9;
	s1 =	simm.s32 $0x5000;
	[tilespmem:s13+$0x6070] =	vst v18;
	v17 =	vor.u32 v8, v7  }
.LBB2_8:
0x15a: {  	p0 =	sne.s32 s0, $0xF  }
.Ltmp3:
0x15b: {  	_ = 	snop;
	(pc) =	sbr.rel @p0 .LBB2_8-.Ltmp3, $4  }
0x15c: {  	v7 =	vmov s0  }
0x15d: {  	v8 =	vshll.u32 v7, $0x9;
	v7 =	vshll.u32 v7, $0x7  }
0x15e: {  	v8 =	vand.u32 $0x1000, v8;
	v7 =	vand.u32 $0x380, v7  }
0x15f: {  	s0 =	sadd.s32 $0x1, s0;
	[tilespmem:v17+s1+$0x0] =	vst.idx.msk $0x1, v6;
	v17 =	vor.u32 v7, v8  }
0x160: {  	s0 =	simm.s32 $0x0;
	s11 =	simm.s32 $0x0  }
0x161: {  	s4 =	sand.u32 $0x100, s0;
	v7 =	vmov s11  }
0x162: {  	v8 =	vmov s4;
	v7 =	vshll.u32 v7, $0x7  }
0x163: {  	s12 =	sor.u32 $0x10, s4;
	s6 =	sor.u32 $0x20, s4;
	s9 =	sor.u32 $0x30, s4;
	v53 =	vor.u32 s4, v0;
	v8 =	vshll.u32 v8, $0x3;
	v7 =	vand.u32 $0x380, v7  }
0x164: {  	s13 =	sor.u32 $0x40, s4;
	s14 =	sor.u32 $0x50, s4;
	s15 =	sor.u32 $0x60, s4;
	v24 =	vadd.s32 s12, v1;
	v25 =	vadd.s32 s6, v1;
	v26 =	vadd.s32 s9, v1  }
0x165: {  	s5 =	sor.u32 $0x70, s4;
	s16 =	sor.u32 $0x80, s4;
	s7 =	sor.u32 $0x90, s4;
	v27 =	vadd.s32 s13, v1;
	v28 =	vadd.s32 s14, v1;
	v29 =	vadd.s32 s15, v1  }
0x166: {  	[tilespmem:v17+s1+$0x0] =	vst.idx.msk $0x1, v6;
	s10 =	rddreg [dreg:$0xa];
	s3 =	simm.s32 $0x6000;
	s8 =	sor.u32 $0xA0, s4;
	v30 =	vadd.s32 s5, v1;
	v31 =	vmov s16;
	v32 =	vadd.s32 s7, v1  }
0x167: {  	[hbm4b:s10+s0] =	stream.linear.scatter [tilespmem:s3], [sflag:$0x6], $0x1000, $0x38;
	v18 =	vor.u32 s12, v0;
	v33 =	vadd.s32 s8, v1;
	v21 =	vor.u32 s6, v0;
	[tilespmem:$0xA080] =	vst v63  }
0x168: {  	s10 =	sor.u32 $0xC0, s4;
	s11 =	sor.u32 $0xD0, s4;
	v22 =	vor.u32 s9, v0;
	v19 =	vor.u32 s13, v0;
	v20 =	vor.u32 s14, v0  }
0x169: {  	s18 =	sor.u32 $0xE0, s4;
	s19 =	sor.u32 $0xF0, s4;
	v35 =	vadd.s32 s10, v1;
	v36 =	vadd.s32 s11, v1;
	v23 =	vor.u32 s15, v0  }
0x16a: {  	s12 =	sor.u32 $0xB0, s4;
	v38 =	vadd.s32 s18, v1;
	v39 =	vadd.s32 s19, v1;
	v8 =	vadd.s32 v2, v8  }
0x16b: {  	v7 =	vbroadcast v7, $0x0;
	v34 =	vadd.s32 s12, v1;
	v37 =	vshll.u32 v24, $0x3  }
0x16c: {  	v40 =	vshll.u32 v25, $0x3;
	v41 =	vshll.u32 v26, $0x3;
	v42 =	vshll.u32 v27, $0x3  }
0x16d: {  	v43 =	vshll.u32 v28, $0x3;
	v44 =	vshll.u32 v29, $0x3;
	v45 =	vshll.u32 v30, $0x3  }
0x16e: {  	v31 =	vshll.u32 v31, $0x3;
	v46 =	vshll.u32 v32, $0x3;
	v47 =	vshll.u32 v33, $0x3  }
0x16f: {  	v49 =	vshll.u32 v35, $0x3;
	v50 =	vshll.u32 v36, $0x3;
	v51 =	vshll.u32 v38, $0x3  }
0x170: {  	v52 =	vshll.u32 v39, $0x3;
	v24 =	vand.u32 $0x7F, v24;
	v25 =	vand.u32 $0x7F, v25  }
0x171: {  	v26 =	vand.u32 $0x7F, v26;
	v27 =	vand.u32 $0x7F, v27;
	v28 =	vand.u32 $0x7F, v28  }
0x172: {  	v29 =	vand.u32 $0x7F, v29;
	v30 =	vand.u32 $0x7F, v30;
	v32 =	vand.u32 $0x7F, v32  }
0x173: {  	v33 =	vand.u32 $0x7F, v33;
	v35 =	vand.u32 $0x7F, v35;
	v36 =	vand.u32 $0x7F, v36  }
0x174: {  	v38 =	vand.u32 $0x7F, v38;
	v39 =	vand.u32 $0x7F, v39;
	v8 =	vand.u32 $0xFFFFFC00, v8  }
0x175: {  	v48 =	vshll.u32 v34, $0x3;
	v37 =	vand.u32 $0xFFFFFC00, v37;
	v40 =	vand.u32 $0xFFFFFC00, v40  }
0x176: {  	v41 =	vand.u32 $0xFFFFFC00, v41;
	v42 =	vand.u32 $0xFFFFFC00, v42;
	v43 =	vand.u32 $0xFFFFFC00, v43  }
0x177: {  	v44 =	vand.u32 $0xFFFFFC00, v44;
	v45 =	vand.u32 $0xFFFFFC00, v45;
	v31 =	vadd.s32 v2, v31  }
0x178: {  	v46 =	vand.u32 $0xFFFFFC00, v46;
	v47 =	vand.u32 $0xFFFFFC00, v47;
	v49 =	vand.u32 $0xFFFFFC00, v49  }
0x179: {  	v50 =	vand.u32 $0xFFFFFC00, v50;
	v51 =	vand.u32 $0xFFFFFC00, v51;
	v52 =	vand.u32 $0xFFFFFC00, v52  }
0x17a: {  	v34 =	vand.u32 $0x7F, v34;
	v8 =	vor.u32 v7, v8;
	v48 =	vand.u32 $0xFFFFFC00, v48  }
0x17b: {  	v24 =	vor.u32 v24, v37;
	v25 =	vor.u32 v25, v40;
	v26 =	vor.u32 v26, v41  }
0x17c: {  	v27 =	vor.u32 v27, v42;
	v28 =	vor.u32 v28, v43;
	v29 =	vor.u32 v29, v44  }
0x17d: {  	v30 =	vor.u32 v30, v45;
	v31 =	vand.u32 $0xFFFFFC00, v31;
	v32 =	vor.u32 v32, v46  }
0x17e: {  	v33 =	vor.u32 v33, v47;
	v35 =	vor.u32 v35, v49;
	v36 =	vor.u32 v36, v50  }
0x17f: {  	v62 =	vor.u32 v38, v51;
	v63 =	vor.u32 v39, v52;
	v42 =	vor.u32 s5, v0  }
0x180: {  	v43 =	vor.u32 s16, v0;
	v44 =	vor.u32 s7, v0;
	v45 =	vor.u32 s8, v0  }
0x181: {  	v46 =	vor.u32 s12, v0;
	v47 =	vor.u32 s10, v0;
	v49 =	vor.u32 s18, v0  }
0x182: {  	v50 =	vor.u32 s19, v0;
	v8 =	vadd.s32 v3, v8;
	v34 =	vor.u32 v34, v48  }
0x183: {  	v24 =	vor.u32 v7, v24;
	v25 =	vor.u32 v7, v25;
	v26 =	vor.u32 v7, v26  }
0x184: {  	s17 =	simm.s32 $0x3;
	v27 =	vor.u32 v7, v27;
	v28 =	vor.u32 v7, v28;
	v29 =	vor.u32 v7, v29  }
0x185: {  	_ =	swait.ge [sflag:s17], $0x1000;
	v30 =	vor.u32 v7, v30;
	v31 =	vor.u32 v7, v31;
	v32 =	vor.u32 v7, v32  }
0x186: {  	s20 =	simm.s32 $0x0;
	[sflag:s17] =	ssyncset.done $0x0;
	v33 =	vor.u32 v7, v33;
	v35 =	vor.u32 v7, v35;
	v36 =	vor.u32 v7, v36  }
0x187: {  	s21 =	sand.u32 $0x3FFFFF80, s20;
	[sflag:s17] =	ssyncadd.s32 $0xFFFFF000;
	v37 =	vor.u32 v7, v62;
	v48 =	vor.u32 s11, v0;
	v8 =	vadd.s32 $0x3000, v8  }
0x188: {  	v17 =	vld [tilespmem:s21+$0x9880];
	v34 =	vor.u32 v7, v34;
	v7 =	vor.u32 v7, v63;
	v24 =	vadd.s32 $0x3000, v24  }
0x189: {  	v25 =	vadd.s32 $0x3000, v25;
	v26 =	vadd.s32 $0x3000, v26;
	v27 =	vadd.s32 $0x3000, v27  }
0x18a: {  	v28 =	vadd.s32 $0x3000, v28;
	v29 =	vadd.s32 $0x3000, v29;
	v30 =	vadd.s32 $0x3000, v30  }
0x18b: {  	v31 =	vadd.s32 v15, v31;
	v32 =	vadd.s32 $0x3000, v32;
	v38 =	vadd.s32 $0x3000, v33  }
0x18c: {  	v40 =	vadd.s32 $0x3000, v35;
	v41 =	vadd.s32 $0x3000, v36;
	v37 =	vadd.s32 $0x3000, v37  }
0x18d: {  	v39 =	vadd.s32 $0x3000, v34;
	v7 =	vadd.s32 $0x3000, v7;
	vm0 =	veq.s32 v53, v17  }
0x18e: {  	vm1 =	vlt.s32 v53, v17;
	vm2 =	veq.s32 v22, v17;
	vm3 =	veq.s32 v19, v17;
	v8 =	vld.idx.msk [tilespmem:v8+s2+$0x0], $0xffff  }
0x18f: {  	vm4 =	veq.s32 v20, v17;
	vm5 =	veq.s32 v23, v17;
	vm6 =	veq.s32 v42, v17;
	v51 =	vld.idx.msk [tilespmem:v24+s2+$0x0], $0xffff  }
0x190: {  	vm7 =	veq.s32 v43, v17;
	vm8 =	veq.s32 v44, v17;
	vm9 =	veq.s32 v45, v17;
	v52 =	vld.idx.msk [tilespmem:v25+s2+$0x0], $0xffff  }
0x191: {  	vm10 =	veq.s32 v46, v17;
	vm11 =	veq.s32 v47, v17;
	vm12 =	veq.s32 v48, v17;
	v53 =	vld.idx.msk [tilespmem:v26+s2+$0x0], $0xffff  }
0x192: {  	vm13 =	veq.s32 v49, v17;
	vm14 =	veq.s32 v50, v17;
	v61 =	vsel vm0, $0x66, v4;
	v54 =	vld.idx.msk [tilespmem:v27+s2+$0x0], $0xffff  }
0x193: {  	vm0 =	veq.s32 v18, v17;
	v58 =	vsel vm2, $0x66, v4;
	v60 =	vsel vm3, $0x66, v4;
	v55 =	vld.idx.msk [tilespmem:v28+s2+$0x0], $0xffff  }
0x194: {  	v62 =	vsel vm5, $0x66, v4;
	v36 =	vsel vm6, $0x66, v4;
	v35 =	vsel vm7, $0x66, v4;
	v59 =	vld.idx.msk [tilespmem:v29+s2+$0x0], $0xffff  }
0x195: {  	v33 =	vsel vm8, $0x66, v4;
	v34 =	vsel vm9, $0x66, v4;
	vm9 =	vlt.s32 v18, v17;
	v24 =	vld.idx.msk [tilespmem:v30+s2+$0x0], $0xffff  }
0x196: {  	vm8 =	vlt.s32 v42, v17;
	vm7 =	vlt.s32 v43, v17;
	vm5 =	vlt.s32 v44, v17;
	v25 =	vld.idx.msk [tilespmem:v31+s2+$0x0], $0xffff  }
0x197: {  	s22 =	sshll.u32 s4, $0x3;
	s13 =	simm.s32 $0x0;
	vm6 =	vlt.s32 v45, v17;
	vm3 =	vlt.s32 v47, v17;
	vm2 =	vlt.s32 v48, v17;
	v27 =	vld.idx.msk [tilespmem:v32+s2+$0x0], $0xffff  }
0x198: {  	s23 =	sshll.u32 s7, $0x3;
	s24 =	sshll.u32 s8, $0x3;
	s26 =	sshll.u32 s10, $0x3;
	v56 =	vsel vm0, $0x66, v4;
	vm0 =	vlt.s32 v50, v17;
	v31 =	vsel vm10, $0x66, v4;
	v28 =	vld.idx.msk [tilespmem:v38+s2+$0x0], $0xffff  }
0x199: {  	s28 =	sshll.u32 s11, $0x3;
	s29 =	sshll.u32 s18, $0x3;
	s9 =	sshll.u32 s19, $0x3;
	v30 =	vsel vm11, $0x66, v4;
	v32 =	vsel vm12, $0x66, v4;
	vm12 =	vlt.s32 v19, v17;
	v19 =	vld.idx.msk [tilespmem:v40+s2+$0x0], $0xffff  }
0x19a: {  	s30 =	sshll.u32 s16, $0x3;
	s25 =	sshll.u32 s12, $0x3;
	s1 =	sand.u32 $0xC00, s23;
	v29 =	vsel vm13, $0x66, v4;
	v26 =	vsel vm14, $0x66, v4;
	vm13 =	vlt.s32 v20, v17;
	v20 =	vld.idx.msk [tilespmem:v41+s2+$0x0], $0xffff  }
0x19b: {  	s4 =	sand.u32 $0xC00, s24;
	s31 =	sand.u32 $0xC00, s9;
	s6 =	sadd.s32 s21, s30;
	vm10 =	vlt.s32 v21, v17;
	vm11 =	vlt.s32 v22, v17;
	vm14 =	vlt.s32 v23, v17;
	v22 =	vld.idx.msk [tilespmem:v37+s2+$0x0], $0xffff  }
0x19c: {  	s3 =	sadd.s32 s21, s1;
	s4 =	sadd.s32 s21, s4;
	s5 =	sadd.s32 s21, s22;
	v18 =	vld.idx.msk [tilespmem:v39+s2+$0x0], $0xffff;
	v8 =	vsel vm1, v8, v61;
	vm1 =	veq.s32 v21, v17;
	v61 =	vsel vm4, $0x66, v4  }
0x19d: {  	s7 =	sand.u32 $0xC00, s25;
	s8 =	sand.u32 $0xC00, s26;
	s10 =	sand.u32 $0xC00, s28;
	vm4 =	vlt.s32 v46, v17;
	v21 =	vld.idx.msk [tilespmem:v7+s2+$0x0], $0xffff;
	v7 =	vsel vm9, v51, v56;
	v38 =	vsel vm11, v53, v58  }
0x19e: {  	s22 =	sadd.s32 s21, s31;
	s11 =	sand.u32 $0xC00, s29;
	s26 =	sadd.s32 s21, s7;
	v37 =	vsel vm12, v54, v60;
	v57 =	vsel vm1, $0x66, v4;
	[tilespmem:s5+$0x7000] =	vst v8;
	vm1 =	vlt.s32 v49, v17  }
0x19f: {  	s24 =	sadd.s32 s21, s8;
	s15 =	sadd.s32 s21, s10;
	s16 =	sadd.s32 s21, s11;
	[tilespmem:s5+$0x7010] =	vst v7;
	v23 =	vsel vm13, v55, v61;
	v17 =	vsel vm14, v59, v62;
	v39 =	vsel vm10, v52, v57  }
.LBB2_10:
0x1a0: {  	s13 =	sadd.s32 $0x10, s13;
	[tilespmem:s5+$0x7020] =	vst v39;
	v7 =	vsel vm8, v24, v36;
	v8 =	vsel vm7, v25, v35;
	v24 =	vsel vm5, v27, v33  }
0x1a1: {  	v25 =	vsel vm6, v28, v34;
	v27 =	vsel vm4, v18, v31;
	v19 =	vsel vm3, v19, v30;
	s0 =	sadd.s32 $0x100, s0;
	s1 =	sshrl.u32 s13, $0x5;
	p0 =	slt.u32 s13, $0xF0;
	[tilespmem:s5+$0x7030] =	vst v38  }
0x1a2: {  	v20 =	vsel vm2, v20, v32;
	v22 =	vsel vm1, v22, v29;
	s14 =	sand.u32 $0x100, s0;
	v18 =	vmov s1;
	[tilespmem:s5+$0x7040] =	vst v37  }
0x1a3: {  	v21 =	vsel vm0, v21, v26;
	v28 =	vmov s14;
	s9 =	sor.u32 $0x10, s14;
	s7 =	sor.u32 $0x20, s14;
	s8 =	sor.u32 $0x30, s14;
	v18 =	vshll.u32 v18, $0x7;
	[tilespmem:s5+$0x7050] =	vst v23  }
0x1a4: {  	s10 =	sor.u32 $0x40, s14;
	s11 =	sor.u32 $0x50, s14;
	s12 =	sor.u32 $0x60, s14;
	v23 =	vshll.u32 v28, $0x3;
	v26 =	vadd.s32 s9, v1;
	v18 =	vand.u32 $0x380, v18;
	[tilespmem:s5+$0x7060] =	vst v17  }
0x1a5: {  	s18 =	sor.u32 $0x70, s14;
	s19 =	sor.u32 $0x80, s14;
	s21 =	sor.u32 $0x90, s14;
	v17 =	vadd.s32 v2, v23;
	v23 =	vadd.s32 s7, v1;
	v18 =	vbroadcast v18, $0x0;
	[tilespmem:s5+$0x7070] =	vst v7  }
0x1a6: {  	s23 =	sor.u32 $0xA0, s14;
	s25 =	sor.u32 $0xB0, s14;
	s28 =	sor.u32 $0xC0, s14;
	v28 =	vadd.s32 s8, v1;
	v29 =	vadd.s32 s10, v1;
	v7 =	vand.u32 $0xFFFFFC00, v17;
	[tilespmem:s6+$0x7000] =	vst v8  }
0x1a7: {  	s29 =	sor.u32 $0xD0, s14;
	s30 =	sor.u32 $0xE0, s14;
	s31 =	sor.u32 $0xF0, s14;
	v30 =	vadd.s32 s12, v1;
	v8 =	vadd.s32 s11, v1;
	v7 =	vor.u32 v18, v7;
	[tilespmem:s3+$0x7010] =	vst v24  }
0x1a8: {  	v31 =	vmov s19;
	s1 =	sshll.u32 s21, $0x3;
	s5 =	sshll.u32 s25, $0x3;
	v24 =	vadd.s32 s18, v1;
	s3 =	sshll.u32 s23, $0x3;
	v7 =	vadd.s32 v3, v7;
	[tilespmem:s4+$0x7020] =	vst v25  }
0x1a9: {  	v32 =	vadd.s32 s23, v1;
	s17 =	sshll.u32 s30, $0x3;
	s6 =	sshll.u32 s29, $0x3;
	v25 =	vadd.s32 s21, v1;
	s4 =	sshll.u32 s28, $0x3;
	v7 =	vadd.s32 $0x3000, v7;
	[tilespmem:s26+$0x7030] =	vst v27  }
0x1aa: {  	v33 =	vadd.s32 s28, v1;
	v34 =	vadd.s32 s29, v1;
	s1 =	sand.u32 $0xC00, s1;
	s20 =	sand.u32 $0xC00, s3;
	v27 =	vadd.s32 s25, v1;
	s26 =	sshll.u32 s31, $0x3;
	[tilespmem:s24+$0x7040] =	vst v19  }
0x1ab: {  	v35 =	vadd.s32 s30, v1;
	v36 =	vadd.s32 s31, v1;
	s5 =	sand.u32 $0xC00, s5;
	s3 =	sshll.u32 s13, $0x2;
	v19 =	vshll.u32 v26, $0x3;
	s24 =	sand.u32 $0xC00, s4;
	[tilespmem:s15+$0x7050] =	vst v20  }
0x1ac: {  	v37 =	vshll.u32 v28, $0x3;
	v38 =	vshll.u32 v29, $0x3;
	s17 =	sand.u32 $0xC00, s17;
	s6 =	sand.u32 $0xC00, s6;
	s15 =	sand.u32 $0x3FFFFF80, s3;
	v20 =	vshll.u32 v23, $0x3;
	[tilespmem:s16+$0x7060] =	vst v22  }
0x1ad: {  	v39 =	vshll.u32 v30, $0x3;
	v40 =	vshll.u32 v24, $0x3;
	v22 =	vshll.u32 v8, $0x3;
	s16 =	sshll.u32 s19, $0x3;
	s3 =	sadd.s32 s15, s1;
	s1 =	sand.u32 $0xC00, s26;
	v17 =	vld [tilespmem:s15+$0x9880];
	[tilespmem:s22+$0x7070] =	vst v21  }
0x1ae: {  	v41 =	vshll.u32 v32, $0x3;
	s4 =	sadd.s32 s15, s20;
	s26 =	sadd.s32 s15, s5;
	s24 =	sadd.s32 s15, s24;
	v21 =	vshll.u32 v31, $0x3;
	v31 =	vshll.u32 v25, $0x3;
	v7 =	vld.idx.msk [tilespmem:v7+s2+$0x0], $0xffff  }
0x1af: {  	v43 =	vshll.u32 v33, $0x3;
	v44 =	vshll.u32 v34, $0x3;
	v42 =	vshll.u32 v27, $0x3;
	s20 =	sadd.s32 s15, s6;
	s5 =	sadd.s32 s15, s17;
	s22 =	sadd.s32 s15, s1  }
0x1b0: {  	v45 =	vshll.u32 v35, $0x3;
	v46 =	vshll.u32 v36, $0x3;
	v19 =	vand.u32 $0xFFFFFC00, v19;
	s6 =	sadd.s32 s15, s16;
	s16 =	smov.u32 s5  }
0x1b1: {  	v47 =	vor.u32 s14, v0;
	v37 =	vand.u32 $0xFFFFFC00, v37;
	v20 =	vand.u32 $0xFFFFFC00, v20  }
0x1b2: {  	v38 =	vand.u32 $0xFFFFFC00, v38;
	v22 =	vand.u32 $0xFFFFFC00, v22;
	vm0 =	veq.s32 v47, v17  }
0x1b3: {  	v39 =	vand.u32 $0xFFFFFC00, v39;
	s1 =	sshll.u32 s14, $0x3;
	vm1 =	vlt.s32 v47, v17;
	v47 =	vsel vm0, $0x66, v4  }
0x1b4: {  	v40 =	vand.u32 $0xFFFFFC00, v40;
	s5 =	sadd.s32 s15, s1;
	s15 =	smov.u32 s20;
	v21 =	vadd.s32 v2, v21;
	v7 =	vsel vm1, v7, v47  }
0x1b5: {  	[tilespmem:s5+$0x7000] =	vst v7;
	v7 =	vand.u32 $0xFFFFFC00, v31;
	v31 =	vand.u32 $0xFFFFFC00, v41;
	v41 =	vand.u32 $0xFFFFFC00, v42  }
0x1b6: {  	v42 =	vand.u32 $0xFFFFFC00, v43;
	v43 =	vand.u32 $0xFFFFFC00, v44;
	v44 =	vand.u32 $0xFFFFFC00, v45  }
0x1b7: {  	v26 =	vand.u32 $0x7F, v26;
	v23 =	vand.u32 $0x7F, v23;
	v45 =	vand.u32 $0xFFFFFC00, v46  }
0x1b8: {  	v28 =	vand.u32 $0x7F, v28;
	v29 =	vand.u32 $0x7F, v29;
	v8 =	vand.u32 $0x7F, v8  }
0x1b9: {  	v30 =	vand.u32 $0x7F, v30;
	v24 =	vand.u32 $0x7F, v24;
	v25 =	vand.u32 $0x7F, v25  }
0x1ba: {  	v32 =	vand.u32 $0x7F, v32;
	v33 =	vand.u32 $0x7F, v33;
	v27 =	vand.u32 $0x7F, v27  }
0x1bb: {  	v34 =	vand.u32 $0x7F, v34;
	v35 =	vand.u32 $0x7F, v35;
	v36 =	vand.u32 $0x7F, v36  }
0x1bc: {  	v19 =	vor.u32 v26, v19;
	v20 =	vor.u32 v23, v20;
	v23 =	vor.u32 v28, v37  }
0x1bd: {  	v26 =	vor.u32 v29, v38;
	v8 =	vor.u32 v8, v22;
	v22 =	vor.u32 v30, v39  }
0x1be: {  	v24 =	vor.u32 v24, v40;
	v21 =	vand.u32 $0xFFFFFC00, v21;
	v7 =	vor.u32 v25, v7  }
0x1bf: {  	v25 =	vor.u32 v32, v31;
	v27 =	vor.u32 v27, v41;
	v28 =	vor.u32 v33, v42  }
0x1c0: {  	v29 =	vor.u32 v34, v43;
	v30 =	vor.u32 v35, v44;
	v31 =	vor.u32 v36, v45  }
0x1c1: {  	v19 =	vor.u32 v18, v19;
	v20 =	vor.u32 v18, v20;
	v23 =	vor.u32 v18, v23  }
0x1c2: {  	v26 =	vor.u32 v18, v26;
	v8 =	vor.u32 v18, v8;
	v22 =	vor.u32 v18, v22  }
0x1c3: {  	v24 =	vor.u32 v18, v24;
	v21 =	vor.u32 v18, v21;
	v7 =	vor.u32 v18, v7  }
0x1c4: {  	v25 =	vor.u32 v18, v25;
	v27 =	vor.u32 v18, v27;
	v28 =	vor.u32 v18, v28  }
0x1c5: {  	v29 =	vor.u32 v18, v29;
	v30 =	vor.u32 v18, v30;
	v18 =	vor.u32 v18, v31  }
0x1c6: {  	v19 =	vadd.s32 $0x3000, v19;
	v20 =	vadd.s32 $0x3000, v20;
	v23 =	vadd.s32 $0x3000, v23  }
0x1c7: {  	v26 =	vadd.s32 $0x3000, v26;
	v8 =	vadd.s32 $0x3000, v8;
	v22 =	vadd.s32 $0x3000, v22  }
0x1c8: {  	v24 =	vadd.s32 $0x3000, v24;
	v21 =	vadd.s32 v15, v21;
	v7 =	vadd.s32 $0x3000, v7  }
0x1c9: {  	v31 =	vadd.s32 $0x3000, v25;
	v32 =	vadd.s32 $0x3000, v27;
	v33 =	vadd.s32 $0x3000, v28  }
0x1ca: {  	v29 =	vadd.s32 $0x3000, v29;
	v37 =	vadd.s32 $0x3000, v30;
	v38 =	vadd.s32 $0x3000, v18  }
0x1cb: {  	v39 =	vor.u32 s9, v0;
	v41 =	vor.u32 s7, v0;
	v42 =	vor.u32 s8, v0;
	v40 =	vld.idx.msk [tilespmem:v19+s2+$0x0], $0xffff  }
0x1cc: {  	v46 =	vor.u32 s12, v0;
	v44 =	vor.u32 s10, v0;
	v45 =	vor.u32 s11, v0;
	v43 =	vld.idx.msk [tilespmem:v20+s2+$0x0], $0xffff  }
0x1cd: {  	v48 =	vor.u32 s19, v0;
	v49 =	vor.u32 s21, v0;
	v47 =	vor.u32 s18, v0;
	v23 =	vld.idx.msk [tilespmem:v23+s2+$0x0], $0xffff  }
0x1ce: {  	v51 =	vor.u32 s23, v0;
	v52 =	vor.u32 s25, v0;
	v53 =	vor.u32 s28, v0;
	v50 =	vld.idx.msk [tilespmem:v26+s2+$0x0], $0xffff  }
0x1cf: {  	v54 =	vor.u32 s29, v0;
	v55 =	vor.u32 s30, v0;
	v56 =	vor.u32 s31, v0;
	v8 =	vld.idx.msk [tilespmem:v8+s2+$0x0], $0xffff  }
0x1d0: {  	vm0 =	veq.s32 v39, v17;
	vm1 =	veq.s32 v41, v17;
	vm2 =	veq.s32 v42, v17;
	v57 =	vld.idx.msk [tilespmem:v22+s2+$0x0], $0xffff  }
0x1d1: {  	vm5 =	veq.s32 v46, v17;
	vm3 =	veq.s32 v44, v17;
	vm4 =	veq.s32 v45, v17;
	v24 =	vld.idx.msk [tilespmem:v24+s2+$0x0], $0xffff  }
0x1d2: {  	vm7 =	veq.s32 v48, v17;
	vm8 =	veq.s32 v49, v17;
	vm6 =	veq.s32 v47, v17;
	v25 =	vld.idx.msk [tilespmem:v21+s2+$0x0], $0xffff  }
0x1d3: {  	vm9 =	veq.s32 v51, v17;
	vm10 =	veq.s32 v52, v17;
	vm11 =	veq.s32 v53, v17;
	v27 =	vld.idx.msk [tilespmem:v7+s2+$0x0], $0xffff  }
0x1d4: {  	vm12 =	veq.s32 v54, v17;
	vm13 =	veq.s32 v55, v17;
	vm14 =	veq.s32 v56, v17;
	v28 =	vld.idx.msk [tilespmem:v31+s2+$0x0], $0xffff  }
0x1d5: {  	v58 =	vsel vm1, $0x66, v4;
	v59 =	vsel vm2, $0x66, v4;
	v7 =	vsel vm0, $0x66, v4;
	v18 =	vld.idx.msk [tilespmem:v32+s2+$0x0], $0xffff  }
0x1d6: {  	v62 =	vsel vm5, $0x66, v4;
	v60 =	vsel vm3, $0x66, v4;
	v61 =	vsel vm4, $0x66, v4;
	v19 =	vld.idx.msk [tilespmem:v33+s2+$0x0], $0xffff  }
0x1d7: {  	v36 =	vsel vm6, $0x66, v4;
	v35 =	vsel vm7, $0x66, v4;
	v33 =	vsel vm8, $0x66, v4;
	v20 =	vld.idx.msk [tilespmem:v29+s2+$0x0], $0xffff  }
0x1d8: {  	v34 =	vsel vm9, $0x66, v4;
	v30 =	vsel vm11, $0x66, v4;
	v31 =	vsel vm10, $0x66, v4;
	v22 =	vld.idx.msk [tilespmem:v37+s2+$0x0], $0xffff  }
0x1d9: {  	v26 =	vsel vm14, $0x66, v4;
	v32 =	vsel vm12, $0x66, v4;
	v29 =	vsel vm13, $0x66, v4;
	v21 =	vld.idx.msk [tilespmem:v38+s2+$0x0], $0xffff  }
0x1da: {  	vm9 =	vlt.s32 v39, v17;
	vm11 =	vlt.s32 v42, v17;
	vm10 =	vlt.s32 v41, v17  }
0x1db: {  	vm14 =	vlt.s32 v46, v17;
	vm12 =	vlt.s32 v44, v17;
	vm13 =	vlt.s32 v45, v17  }
.Ltmp4:
0x1dc: {  	vm7 =	vlt.s32 v48, v17;
	vm5 =	vlt.s32 v49, v17;
	vm8 =	vlt.s32 v47, v17;
	(pc) =	sbr.rel @p0 .LBB2_10-.Ltmp4, $4  }
0x1dd: {  	vm6 =	vlt.s32 v51, v17;
	vm4 =	vlt.s32 v52, v17;
	vm3 =	vlt.s32 v53, v17  }
0x1de: {  	vm2 =	vlt.s32 v54, v17;
	vm1 =	vlt.s32 v55, v17;
	vm0 =	vlt.s32 v56, v17  }
0x1df: {  	v7 =	vsel vm9, v40, v7;
	v39 =	vsel vm10, v43, v58;
	v38 =	vsel vm11, v23, v59  }
0x1e0: {  	v17 =	vsel vm14, v57, v62;
	v37 =	vsel vm12, v50, v60;
	v23 =	vsel vm13, v8, v61;
	[tilespmem:s5+$0x7010] =	vst v7  }
0x1e1: {  	[tilespmem:s5+$0x7020] =	vst v39  }
0x1e2: {  	[tilespmem:s5+$0x7030] =	vst v38  }
0x1e3: {  	[tilespmem:s5+$0x7040] =	vst v37  }
0x1e4: {  	[tilespmem:s5+$0x7050] =	vst v23  }
0x1e5: {  	v7 =	vsel vm8, v24, v36;
	[tilespmem:s5+$0x7060] =	vst v17  }
0x1e6: {  	v8 =	vsel vm7, v25, v35;
	[tilespmem:s5+$0x7070] =	vst v7  }
0x1e7: {  	v7 =	vsel vm5, v27, v33;
	[tilespmem:s6+$0x7000] =	vst v8  }
0x1e8: {  	v8 =	vsel vm6, v28, v34;
	[tilespmem:s3+$0x7010] =	vst v7  }
0x1e9: {  	v7 =	vsel vm4, v18, v31;
	[tilespmem:s4+$0x7020] =	vst v8  }
0x1ea: {  	s0 =	simm.s32 $0x10;
	v8 =	vsel vm3, v19, v30;
	[tilespmem:s26+$0x7030] =	vst v7  }
0x1eb: {  	v7 =	vsel vm2, v20, v32;
	[tilespmem:s24+$0x7040] =	vst v8;
	v8 =	vmov s0  }
0x1ec: {  	v17 =	vsel vm1, v22, v29;
	[tilespmem:s15+$0x7050] =	vst v7;
	v7 =	vshll.u32 v8, $0x9;
	v8 =	vshll.u32 v8, $0x7  }
0x1ed: {  	[tilespmem:s16+$0x7060] =	vst v17;
	v18 =	vsel vm0, v21, v26;
	v7 =	vand.u32 $0x3000, v7;
	v8 =	vand.u32 $0x380, v8  }
0x1ee: {  	s1 =	simm.s32 $0x5000;
	[tilespmem:s22+$0x7070] =	vst v18;
	s0 =	simm.s32 $0x11;
	v17 =	vor.u32 v8, v7  }
.LBB2_12:
0x1ef: {  	p0 =	sne.s32 s0, $0x17  }
.Ltmp5:
0x1f0: {  	_ = 	snop;
	(pc) =	sbr.rel @p0 .LBB2_12-.Ltmp5, $4  }
0x1f1: {  	v7 =	vmov s0  }
0x1f2: {  	v8 =	vshll.u32 v7, $0x9;
	v7 =	vshll.u32 v7, $0x7  }
0x1f3: {  	v8 =	vand.u32 $0x3000, v8;
	v7 =	vand.u32 $0x380, v7  }
0x1f4: {  	s0 =	sadd.s32 $0x1, s0;
	[tilespmem:v17+s1+$0x0] =	vst.idx.msk $0x1, v6;
	v17 =	vor.u32 v7, v8  }
0x1f5: {  	s0 =	simm.s32 $0x0;
	s11 =	simm.s32 $0x0  }
0x1f6: {  	s4 =	sand.u32 $0x100, s0;
	v7 =	vmov s11  }
0x1f7: {  	v8 =	vmov s4;
	v7 =	vshll.u32 v7, $0x7  }
0x1f8: {  	s12 =	sor.u32 $0x10, s4;
	s6 =	sor.u32 $0x20, s4;
	s9 =	sor.u32 $0x30, s4;
	v53 =	vor.u32 s4, v0;
	v8 =	vshll.u32 v8, $0x3;
	v7 =	vand.u32 $0x380, v7  }
0x1f9: {  	s13 =	sor.u32 $0x40, s4;
	s14 =	sor.u32 $0x50, s4;
	s15 =	sor.u32 $0x60, s4;
	v24 =	vadd.s32 s12, v1;
	v25 =	vadd.s32 s6, v1;
	v26 =	vadd.s32 s9, v1  }
0x1fa: {  	s5 =	sor.u32 $0x70, s4;
	s16 =	sor.u32 $0x80, s4;
	s7 =	sor.u32 $0x90, s4;
	v27 =	vadd.s32 s13, v1;
	v28 =	vadd.s32 s14, v1;
	v29 =	vadd.s32 s15, v1  }
0x1fb: {  	[tilespmem:v17+s1+$0x0] =	vst.idx.msk $0x1, v6;
	s10 =	rddreg [dreg:$0xb];
	s3 =	simm.s32 $0x7000;
	s8 =	sor.u32 $0xA0, s4;
	v30 =	vadd.s32 s5, v1;
	v31 =	vmov s16;
	v32 =	vadd.s32 s7, v1  }
0x1fc: {  	[hbm4b:s10+s0] =	stream.linear.scatter [tilespmem:s3], [sflag:$0x7], $0x1000, $0x38;
	v18 =	vor.u32 s12, v0;
	v33 =	vadd.s32 s8, v1;
	v21 =	vor.u32 s6, v0;
	[tilespmem:$0xA080] =	vst v63  }
0x1fd: {  	s10 =	sor.u32 $0xC0, s4;
	s11 =	sor.u32 $0xD0, s4;
	v22 =	vor.u32 s9, v0;
	v19 =	vor.u32 s13, v0;
	v20 =	vor.u32 s14, v0  }
0x1fe: {  	s18 =	sor.u32 $0xE0, s4;
	s19 =	sor.u32 $0xF0, s4;
	v35 =	vadd.s32 s10, v1;
	v36 =	vadd.s32 s11, v1;
	v23 =	vor.u32 s15, v0  }
0x1ff: {  	s12 =	sor.u32 $0xB0, s4;
	v38 =	vadd.s32 s18, v1;
	v39 =	vadd.s32 s19, v1;
	v8 =	vadd.s32 v2, v8  }
0x200: {  	v7 =	vbroadcast v7, $0x0;
	v34 =	vadd.s32 s12, v1;
	v37 =	vshll.u32 v24, $0x3  }
0x201: {  	v40 =	vshll.u32 v25, $0x3;
	v41 =	vshll.u32 v26, $0x3;
	v42 =	vshll.u32 v27, $0x3  }
0x202: {  	v43 =	vshll.u32 v28, $0x3;
	v44 =	vshll.u32 v29, $0x3;
	v45 =	vshll.u32 v30, $0x3  }
0x203: {  	v31 =	vshll.u32 v31, $0x3;
	v46 =	vshll.u32 v32, $0x3;
	v47 =	vshll.u32 v33, $0x3  }
0x204: {  	v49 =	vshll.u32 v35, $0x3;
	v50 =	vshll.u32 v36, $0x3;
	v51 =	vshll.u32 v38, $0x3  }
0x205: {  	v52 =	vshll.u32 v39, $0x3;
	v24 =	vand.u32 $0x7F, v24;
	v25 =	vand.u32 $0x7F, v25  }
0x206: {  	v26 =	vand.u32 $0x7F, v26;
	v27 =	vand.u32 $0x7F, v27;
	v28 =	vand.u32 $0x7F, v28  }
0x207: {  	v29 =	vand.u32 $0x7F, v29;
	v30 =	vand.u32 $0x7F, v30;
	v32 =	vand.u32 $0x7F, v32  }
0x208: {  	v33 =	vand.u32 $0x7F, v33;
	v35 =	vand.u32 $0x7F, v35;
	v36 =	vand.u32 $0x7F, v36  }
0x209: {  	v38 =	vand.u32 $0x7F, v38;
	v39 =	vand.u32 $0x7F, v39;
	v8 =	vand.u32 $0xFFFFFC00, v8  }
0x20a: {  	v48 =	vshll.u32 v34, $0x3;
	v37 =	vand.u32 $0xFFFFFC00, v37;
	v40 =	vand.u32 $0xFFFFFC00, v40  }
0x20b: {  	v41 =	vand.u32 $0xFFFFFC00, v41;
	v42 =	vand.u32 $0xFFFFFC00, v42;
	v43 =	vand.u32 $0xFFFFFC00, v43  }
0x20c: {  	v44 =	vand.u32 $0xFFFFFC00, v44;
	v45 =	vand.u32 $0xFFFFFC00, v45;
	v31 =	vadd.s32 v2, v31  }
0x20d: {  	v46 =	vand.u32 $0xFFFFFC00, v46;
	v47 =	vand.u32 $0xFFFFFC00, v47;
	v49 =	vand.u32 $0xFFFFFC00, v49  }
0x20e: {  	v50 =	vand.u32 $0xFFFFFC00, v50;
	v51 =	vand.u32 $0xFFFFFC00, v51;
	v52 =	vand.u32 $0xFFFFFC00, v52  }
0x20f: {  	v34 =	vand.u32 $0x7F, v34;
	v8 =	vor.u32 v7, v8;
	v48 =	vand.u32 $0xFFFFFC00, v48  }
0x210: {  	v24 =	vor.u32 v24, v37;
	v25 =	vor.u32 v25, v40;
	v26 =	vor.u32 v26, v41  }
0x211: {  	v27 =	vor.u32 v27, v42;
	v28 =	vor.u32 v28, v43;
	v29 =	vor.u32 v29, v44  }
0x212: {  	v30 =	vor.u32 v30, v45;
	v31 =	vand.u32 $0xFFFFFC00, v31;
	v32 =	vor.u32 v32, v46  }
0x213: {  	v33 =	vor.u32 v33, v47;
	v35 =	vor.u32 v35, v49;
	v36 =	vor.u32 v36, v50  }
0x214: {  	v62 =	vor.u32 v38, v51;
	v63 =	vor.u32 v39, v52;
	v42 =	vor.u32 s5, v0  }
0x215: {  	v43 =	vor.u32 s16, v0;
	v44 =	vor.u32 s7, v0;
	v45 =	vor.u32 s8, v0  }
0x216: {  	v46 =	vor.u32 s12, v0;
	v47 =	vor.u32 s10, v0;
	v49 =	vor.u32 s18, v0  }
0x217: {  	v50 =	vor.u32 s19, v0;
	v8 =	vadd.s32 v3, v8;
	v34 =	vor.u32 v34, v48  }
0x218: {  	v24 =	vor.u32 v7, v24;
	v25 =	vor.u32 v7, v25;
	v26 =	vor.u32 v7, v26  }
0x219: {  	s17 =	simm.s32 $0x4;
	v27 =	vor.u32 v7, v27;
	v28 =	vor.u32 v7, v28;
	v29 =	vor.u32 v7, v29  }
0x21a: {  	_ =	swait.ge [sflag:s17], $0x1000;
	v30 =	vor.u32 v7, v30;
	v31 =	vor.u32 v7, v31;
	v32 =	vor.u32 v7, v32  }
0x21b: {  	s20 =	simm.s32 $0x0;
	[sflag:s17] =	ssyncset.done $0x0;
	v33 =	vor.u32 v7, v33;
	v35 =	vor.u32 v7, v35;
	v36 =	vor.u32 v7, v36  }
0x21c: {  	s21 =	sand.u32 $0x3FFFFF80, s20;
	[sflag:s17] =	ssyncadd.s32 $0xFFFFF000;
	v37 =	vor.u32 v7, v62;
	v48 =	vor.u32 s11, v0;
	v8 =	vadd.s32 $0x4000, v8  }
0x21d: {  	v17 =	vld [tilespmem:s21+$0x9C80];
	v34 =	vor.u32 v7, v34;
	v7 =	vor.u32 v7, v63;
	v24 =	vadd.s32 $0x4000, v24  }
0x21e: {  	v25 =	vadd.s32 $0x4000, v25;
	v26 =	vadd.s32 $0x4000, v26;
	v27 =	vadd.s32 $0x4000, v27  }
0x21f: {  	v28 =	vadd.s32 $0x4000, v28;
	v29 =	vadd.s32 $0x4000, v29;
	v30 =	vadd.s32 $0x4000, v30  }
0x220: {  	v31 =	vadd.s32 v16, v31;
	v32 =	vadd.s32 $0x4000, v32;
	v38 =	vadd.s32 $0x4000, v33  }
0x221: {  	v40 =	vadd.s32 $0x4000, v35;
	v41 =	vadd.s32 $0x4000, v36;
	v37 =	vadd.s32 $0x4000, v37  }
0x222: {  	v39 =	vadd.s32 $0x4000, v34;
	v7 =	vadd.s32 $0x4000, v7;
	vm0 =	veq.s32 v53, v17  }
0x223: {  	vm1 =	vlt.s32 v53, v17;
	vm2 =	veq.s32 v22, v17;
	vm3 =	veq.s32 v19, v17;
	v8 =	vld.idx.msk [tilespmem:v8+s2+$0x0], $0xffff  }
0x224: {  	vm4 =	veq.s32 v20, v17;
	vm5 =	veq.s32 v23, v17;
	vm6 =	veq.s32 v42, v17;
	v51 =	vld.idx.msk [tilespmem:v24+s2+$0x0], $0xffff  }
0x225: {  	vm7 =	veq.s32 v43, v17;
	vm8 =	veq.s32 v44, v17;
	vm9 =	veq.s32 v45, v17;
	v52 =	vld.idx.msk [tilespmem:v25+s2+$0x0], $0xffff  }
0x226: {  	vm10 =	veq.s32 v46, v17;
	vm11 =	veq.s32 v47, v17;
	vm12 =	veq.s32 v48, v17;
	v53 =	vld.idx.msk [tilespmem:v26+s2+$0x0], $0xffff  }
0x227: {  	vm13 =	veq.s32 v49, v17;
	vm14 =	veq.s32 v50, v17;
	v61 =	vsel vm0, $0x66, v4;
	v54 =	vld.idx.msk [tilespmem:v27+s2+$0x0], $0xffff  }
0x228: {  	vm0 =	veq.s32 v18, v17;
	v58 =	vsel vm2, $0x66, v4;
	v60 =	vsel vm3, $0x66, v4;
	v55 =	vld.idx.msk [tilespmem:v28+s2+$0x0], $0xffff  }
0x229: {  	v62 =	vsel vm5, $0x66, v4;
	v36 =	vsel vm6, $0x66, v4;
	v35 =	vsel vm7, $0x66, v4;
	v59 =	vld.idx.msk [tilespmem:v29+s2+$0x0], $0xffff  }
0x22a: {  	v33 =	vsel vm8, $0x66, v4;
	v34 =	vsel vm9, $0x66, v4;
	vm9 =	vlt.s32 v18, v17;
	v24 =	vld.idx.msk [tilespmem:v30+s2+$0x0], $0xffff  }
0x22b: {  	vm8 =	vlt.s32 v42, v17;
	vm7 =	vlt.s32 v43, v17;
	vm5 =	vlt.s32 v44, v17;
	v25 =	vld.idx.msk [tilespmem:v31+s2+$0x0], $0xffff  }
0x22c: {  	s22 =	sshll.u32 s4, $0x3;
	s13 =	simm.s32 $0x0;
	vm6 =	vlt.s32 v45, v17;
	vm3 =	vlt.s32 v47, v17;
	vm2 =	vlt.s32 v48, v17;
	v27 =	vld.idx.msk [tilespmem:v32+s2+$0x0], $0xffff  }
0x22d: {  	s23 =	sshll.u32 s7, $0x3;
	s24 =	sshll.u32 s8, $0x3;
	s26 =	sshll.u32 s10, $0x3;
	v56 =	vsel vm0, $0x66, v4;
	vm0 =	vlt.s32 v50, v17;
	v31 =	vsel vm10, $0x66, v4;
	v28 =	vld.idx.msk [tilespmem:v38+s2+$0x0], $0xffff  }
0x22e: {  	s28 =	sshll.u32 s11, $0x3;
	s29 =	sshll.u32 s18, $0x3;
	s9 =	sshll.u32 s19, $0x3;
	v30 =	vsel vm11, $0x66, v4;
	v32 =	vsel vm12, $0x66, v4;
	vm12 =	vlt.s32 v19, v17;
	v19 =	vld.idx.msk [tilespmem:v40+s2+$0x0], $0xffff  }
0x22f: {  	s30 =	sshll.u32 s16, $0x3;
	s25 =	sshll.u32 s12, $0x3;
	s1 =	sand.u32 $0xC00, s23;
	v29 =	vsel vm13, $0x66, v4;
	v26 =	vsel vm14, $0x66, v4;
	vm13 =	vlt.s32 v20, v17;
	v20 =	vld.idx.msk [tilespmem:v41+s2+$0x0], $0xffff  }
0x230: {  	s4 =	sand.u32 $0xC00, s24;
	s31 =	sand.u32 $0xC00, s9;
	s6 =	sadd.s32 s21, s30;
	vm10 =	vlt.s32 v21, v17;
	vm11 =	vlt.s32 v22, v17;
	vm14 =	vlt.s32 v23, v17;
	v22 =	vld.idx.msk [tilespmem:v37+s2+$0x0], $0xffff  }
0x231: {  	s3 =	sadd.s32 s21, s1;
	s4 =	sadd.s32 s21, s4;
	s5 =	sadd.s32 s21, s22;
	v18 =	vld.idx.msk [tilespmem:v39+s2+$0x0], $0xffff;
	v8 =	vsel vm1, v8, v61;
	vm1 =	veq.s32 v21, v17;
	v61 =	vsel vm4, $0x66, v4  }
0x232: {  	s7 =	sand.u32 $0xC00, s25;
	s8 =	sand.u32 $0xC00, s26;
	s10 =	sand.u32 $0xC00, s28;
	vm4 =	vlt.s32 v46, v17;
	v21 =	vld.idx.msk [tilespmem:v7+s2+$0x0], $0xffff;
	v7 =	vsel vm9, v51, v56;
	v38 =	vsel vm11, v53, v58  }
0x233: {  	s22 =	sadd.s32 s21, s31;
	s11 =	sand.u32 $0xC00, s29;
	s26 =	sadd.s32 s21, s7;
	v37 =	vsel vm12, v54, v60;
	v57 =	vsel vm1, $0x66, v4;
	[tilespmem:s5+$0x8000] =	vst v8;
	vm1 =	vlt.s32 v49, v17  }
0x234: {  	s24 =	sadd.s32 s21, s8;
	s15 =	sadd.s32 s21, s10;
	s16 =	sadd.s32 s21, s11;
	[tilespmem:s5+$0x8010] =	vst v7;
	v23 =	vsel vm13, v55, v61;
	v17 =	vsel vm14, v59, v62;
	v39 =	vsel vm10, v52, v57  }
.LBB2_14:
0x235: {  	s13 =	sadd.s32 $0x10, s13;
	[tilespmem:s5+$0x8020] =	vst v39;
	v7 =	vsel vm8, v24, v36;
	v8 =	vsel vm7, v25, v35;
	v24 =	vsel vm5, v27, v33  }
0x236: {  	v25 =	vsel vm6, v28, v34;
	v27 =	vsel vm4, v18, v31;
	v19 =	vsel vm3, v19, v30;
	s0 =	sadd.s32 $0x100, s0;
	s1 =	sshrl.u32 s13, $0x5;
	p0 =	slt.u32 s13, $0xF0;
	[tilespmem:s5+$0x8030] =	vst v38  }
0x237: {  	v20 =	vsel vm2, v20, v32;
	v22 =	vsel vm1, v22, v29;
	s14 =	sand.u32 $0x100, s0;
	v18 =	vmov s1;
	[tilespmem:s5+$0x8040] =	vst v37  }
0x238: {  	v21 =	vsel vm0, v21, v26;
	v28 =	vmov s14;
	s9 =	sor.u32 $0x10, s14;
	s7 =	sor.u32 $0x20, s14;
	s8 =	sor.u32 $0x30, s14;
	v18 =	vshll.u32 v18, $0x7;
	[tilespmem:s5+$0x8050] =	vst v23  }
0x239: {  	s10 =	sor.u32 $0x40, s14;
	s11 =	sor.u32 $0x50, s14;
	s12 =	sor.u32 $0x60, s14;
	v23 =	vshll.u32 v28, $0x3;
	v26 =	vadd.s32 s9, v1;
	v18 =	vand.u32 $0x380, v18;
	[tilespmem:s5+$0x8060] =	vst v17  }
0x23a: {  	s18 =	sor.u32 $0x70, s14;
	s19 =	sor.u32 $0x80, s14;
	s21 =	sor.u32 $0x90, s14;
	v17 =	vadd.s32 v2, v23;
	v23 =	vadd.s32 s7, v1;
	v18 =	vbroadcast v18, $0x0;
	[tilespmem:s5+$0x8070] =	vst v7  }
0x23b: {  	s23 =	sor.u32 $0xA0, s14;
	s25 =	sor.u32 $0xB0, s14;
	s28 =	sor.u32 $0xC0, s14;
	v28 =	vadd.s32 s8, v1;
	v29 =	vadd.s32 s10, v1;
	v7 =	vand.u32 $0xFFFFFC00, v17;
	[tilespmem:s6+$0x8000] =	vst v8  }
0x23c: {  	s29 =	sor.u32 $0xD0, s14;
	s30 =	sor.u32 $0xE0, s14;
	s31 =	sor.u32 $0xF0, s14;
	v30 =	vadd.s32 s12, v1;
	v8 =	vadd.s32 s11, v1;
	v7 =	vor.u32 v18, v7;
	[tilespmem:s3+$0x8010] =	vst v24  }
0x23d: {  	v31 =	vmov s19;
	s1 =	sshll.u32 s21, $0x3;
	s5 =	sshll.u32 s25, $0x3;
	v24 =	vadd.s32 s18, v1;
	s3 =	sshll.u32 s23, $0x3;
	v7 =	vadd.s32 v3, v7;
	[tilespmem:s4+$0x8020] =	vst v25  }
0x23e: {  	v32 =	vadd.s32 s23, v1;
	s17 =	sshll.u32 s30, $0x3;
	s6 =	sshll.u32 s29, $0x3;
	v25 =	vadd.s32 s21, v1;
	s4 =	sshll.u32 s28, $0x3;
	v7 =	vadd.s32 $0x4000, v7;
	[tilespmem:s26+$0x8030] =	vst v27  }
0x23f: {  	v33 =	vadd.s32 s28, v1;
	v34 =	vadd.s32 s29, v1;
	s1 =	sand.u32 $0xC00, s1;
	s20 =	sand.u32 $0xC00, s3;
	v27 =	vadd.s32 s25, v1;
	s26 =	sshll.u32 s31, $0x3;
	[tilespmem:s24+$0x8040] =	vst v19  }
0x240: {  	v35 =	vadd.s32 s30, v1;
	v36 =	vadd.s32 s31, v1;
	s5 =	sand.u32 $0xC00, s5;
	s3 =	sshll.u32 s13, $0x2;
	v19 =	vshll.u32 v26, $0x3;
	s24 =	sand.u32 $0xC00, s4;
	[tilespmem:s15+$0x8050] =	vst v20  }
0x241: {  	v37 =	vshll.u32 v28, $0x3;
	v38 =	vshll.u32 v29, $0x3;
	s17 =	sand.u32 $0xC00, s17;
	s6 =	sand.u32 $0xC00, s6;
	s15 =	sand.u32 $0x3FFFFF80, s3;
	v20 =	vshll.u32 v23, $0x3;
	[tilespmem:s16+$0x8060] =	vst v22  }
0x242: {  	v39 =	vshll.u32 v30, $0x3;
	v40 =	vshll.u32 v24, $0x3;
	v22 =	vshll.u32 v8, $0x3;
	s16 =	sshll.u32 s19, $0x3;
	s3 =	sadd.s32 s15, s1;
	s1 =	sand.u32 $0xC00, s26;
	v17 =	vld [tilespmem:s15+$0x9C80];
	[tilespmem:s22+$0x8070] =	vst v21  }
0x243: {  	v41 =	vshll.u32 v32, $0x3;
	s4 =	sadd.s32 s15, s20;
	s26 =	sadd.s32 s15, s5;
	s24 =	sadd.s32 s15, s24;
	v21 =	vshll.u32 v31, $0x3;
	v31 =	vshll.u32 v25, $0x3;
	v7 =	vld.idx.msk [tilespmem:v7+s2+$0x0], $0xffff  }
0x244: {  	v43 =	vshll.u32 v33, $0x3;
	v44 =	vshll.u32 v34, $0x3;
	v42 =	vshll.u32 v27, $0x3;
	s20 =	sadd.s32 s15, s6;
	s5 =	sadd.s32 s15, s17;
	s22 =	sadd.s32 s15, s1  }
0x245: {  	v45 =	vshll.u32 v35, $0x3;
	v46 =	vshll.u32 v36, $0x3;
	v19 =	vand.u32 $0xFFFFFC00, v19;
	s6 =	sadd.s32 s15, s16;
	s16 =	smov.u32 s5  }
0x246: {  	v47 =	vor.u32 s14, v0;
	v37 =	vand.u32 $0xFFFFFC00, v37;
	v20 =	vand.u32 $0xFFFFFC00, v20  }
0x247: {  	v38 =	vand.u32 $0xFFFFFC00, v38;
	v22 =	vand.u32 $0xFFFFFC00, v22;
	vm0 =	veq.s32 v47, v17  }
0x248: {  	v39 =	vand.u32 $0xFFFFFC00, v39;
	s1 =	sshll.u32 s14, $0x3;
	vm1 =	vlt.s32 v47, v17;
	v47 =	vsel vm0, $0x66, v4  }
0x249: {  	v40 =	vand.u32 $0xFFFFFC00, v40;
	s5 =	sadd.s32 s15, s1;
	s15 =	smov.u32 s20;
	v21 =	vadd.s32 v2, v21;
	v7 =	vsel vm1, v7, v47  }
0x24a: {  	[tilespmem:s5+$0x8000] =	vst v7;
	v7 =	vand.u32 $0xFFFFFC00, v31;
	v31 =	vand.u32 $0xFFFFFC00, v41;
	v41 =	vand.u32 $0xFFFFFC00, v42  }
0x24b: {  	v42 =	vand.u32 $0xFFFFFC00, v43;
	v43 =	vand.u32 $0xFFFFFC00, v44;
	v44 =	vand.u32 $0xFFFFFC00, v45  }
0x24c: {  	v26 =	vand.u32 $0x7F, v26;
	v23 =	vand.u32 $0x7F, v23;
	v45 =	vand.u32 $0xFFFFFC00, v46  }
0x24d: {  	v28 =	vand.u32 $0x7F, v28;
	v29 =	vand.u32 $0x7F, v29;
	v8 =	vand.u32 $0x7F, v8  }
0x24e: {  	v30 =	vand.u32 $0x7F, v30;
	v24 =	vand.u32 $0x7F, v24;
	v25 =	vand.u32 $0x7F, v25  }
0x24f: {  	v32 =	vand.u32 $0x7F, v32;
	v33 =	vand.u32 $0x7F, v33;
	v27 =	vand.u32 $0x7F, v27  }
0x250: {  	v34 =	vand.u32 $0x7F, v34;
	v35 =	vand.u32 $0x7F, v35;
	v36 =	vand.u32 $0x7F, v36  }
0x251: {  	v19 =	vor.u32 v26, v19;
	v20 =	vor.u32 v23, v20;
	v23 =	vor.u32 v28, v37  }
0x252: {  	v26 =	vor.u32 v29, v38;
	v8 =	vor.u32 v8, v22;
	v22 =	vor.u32 v30, v39  }
0x253: {  	v24 =	vor.u32 v24, v40;
	v21 =	vand.u32 $0xFFFFFC00, v21;
	v7 =	vor.u32 v25, v7  }
0x254: {  	v25 =	vor.u32 v32, v31;
	v27 =	vor.u32 v27, v41;
	v28 =	vor.u32 v33, v42  }
0x255: {  	v29 =	vor.u32 v34, v43;
	v30 =	vor.u32 v35, v44;
	v31 =	vor.u32 v36, v45  }
0x256: {  	v19 =	vor.u32 v18, v19;
	v20 =	vor.u32 v18, v20;
	v23 =	vor.u32 v18, v23  }
0x257: {  	v26 =	vor.u32 v18, v26;
	v8 =	vor.u32 v18, v8;
	v22 =	vor.u32 v18, v22  }
0x258: {  	v24 =	vor.u32 v18, v24;
	v21 =	vor.u32 v18, v21;
	v7 =	vor.u32 v18, v7  }
0x259: {  	v25 =	vor.u32 v18, v25;
	v27 =	vor.u32 v18, v27;
	v28 =	vor.u32 v18, v28  }
0x25a: {  	v29 =	vor.u32 v18, v29;
	v30 =	vor.u32 v18, v30;
	v18 =	vor.u32 v18, v31  }
0x25b: {  	v19 =	vadd.s32 $0x4000, v19;
	v20 =	vadd.s32 $0x4000, v20;
	v23 =	vadd.s32 $0x4000, v23  }
0x25c: {  	v26 =	vadd.s32 $0x4000, v26;
	v8 =	vadd.s32 $0x4000, v8;
	v22 =	vadd.s32 $0x4000, v22  }
0x25d: {  	v24 =	vadd.s32 $0x4000, v24;
	v21 =	vadd.s32 v16, v21;
	v7 =	vadd.s32 $0x4000, v7  }
0x25e: {  	v31 =	vadd.s32 $0x4000, v25;
	v32 =	vadd.s32 $0x4000, v27;
	v33 =	vadd.s32 $0x4000, v28  }
0x25f: {  	v29 =	vadd.s32 $0x4000, v29;
	v37 =	vadd.s32 $0x4000, v30;
	v38 =	vadd.s32 $0x4000, v18  }
0x260: {  	v39 =	vor.u32 s9, v0;
	v41 =	vor.u32 s7, v0;
	v42 =	vor.u32 s8, v0;
	v40 =	vld.idx.msk [tilespmem:v19+s2+$0x0], $0xffff  }
0x261: {  	v46 =	vor.u32 s12, v0;
	v44 =	vor.u32 s10, v0;
	v45 =	vor.u32 s11, v0;
	v43 =	vld.idx.msk [tilespmem:v20+s2+$0x0], $0xffff  }
0x262: {  	v48 =	vor.u32 s19, v0;
	v49 =	vor.u32 s21, v0;
	v47 =	vor.u32 s18, v0;
	v23 =	vld.idx.msk [tilespmem:v23+s2+$0x0], $0xffff  }
0x263: {  	v51 =	vor.u32 s23, v0;
	v52 =	vor.u32 s25, v0;
	v53 =	vor.u32 s28, v0;
	v50 =	vld.idx.msk [tilespmem:v26+s2+$0x0], $0xffff  }
0x264: {  	v54 =	vor.u32 s29, v0;
	v55 =	vor.u32 s30, v0;
	v56 =	vor.u32 s31, v0;
	v8 =	vld.idx.msk [tilespmem:v8+s2+$0x0], $0xffff  }
0x265: {  	vm0 =	veq.s32 v39, v17;
	vm1 =	veq.s32 v41, v17;
	vm2 =	veq.s32 v42, v17;
	v57 =	vld.idx.msk [tilespmem:v22+s2+$0x0], $0xffff  }
0x266: {  	vm5 =	veq.s32 v46, v17;
	vm3 =	veq.s32 v44, v17;
	vm4 =	veq.s32 v45, v17;
	v24 =	vld.idx.msk [tilespmem:v24+s2+$0x0], $0xffff  }
0x267: {  	vm7 =	veq.s32 v48, v17;
	vm8 =	veq.s32 v49, v17;
	vm6 =	veq.s32 v47, v17;
	v25 =	vld.idx.msk [tilespmem:v21+s2+$0x0], $0xffff  }
0x268: {  	vm9 =	veq.s32 v51, v17;
	vm10 =	veq.s32 v52, v17;
	vm11 =	veq.s32 v53, v17;
	v27 =	vld.idx.msk [tilespmem:v7+s2+$0x0], $0xffff  }
0x269: {  	vm12 =	veq.s32 v54, v17;
	vm13 =	veq.s32 v55, v17;
	vm14 =	veq.s32 v56, v17;
	v28 =	vld.idx.msk [tilespmem:v31+s2+$0x0], $0xffff  }
0x26a: {  	v58 =	vsel vm1, $0x66, v4;
	v59 =	vsel vm2, $0x66, v4;
	v7 =	vsel vm0, $0x66, v4;
	v18 =	vld.idx.msk [tilespmem:v32+s2+$0x0], $0xffff  }
0x26b: {  	v62 =	vsel vm5, $0x66, v4;
	v60 =	vsel vm3, $0x66, v4;
	v61 =	vsel vm4, $0x66, v4;
	v19 =	vld.idx.msk [tilespmem:v33+s2+$0x0], $0xffff  }
0x26c: {  	v36 =	vsel vm6, $0x66, v4;
	v35 =	vsel vm7, $0x66, v4;
	v33 =	vsel vm8, $0x66, v4;
	v20 =	vld.idx.msk [tilespmem:v29+s2+$0x0], $0xffff  }
0x26d: {  	v34 =	vsel vm9, $0x66, v4;
	v30 =	vsel vm11, $0x66, v4;
	v31 =	vsel vm10, $0x66, v4;
	v22 =	vld.idx.msk [tilespmem:v37+s2+$0x0], $0xffff  }
0x26e: {  	v26 =	vsel vm14, $0x66, v4;
	v32 =	vsel vm12, $0x66, v4;
	v29 =	vsel vm13, $0x66, v4;
	v21 =	vld.idx.msk [tilespmem:v38+s2+$0x0], $0xffff  }
0x26f: {  	vm9 =	vlt.s32 v39, v17;
	vm11 =	vlt.s32 v42, v17;
	vm10 =	vlt.s32 v41, v17  }
0x270: {  	vm14 =	vlt.s32 v46, v17;
	vm12 =	vlt.s32 v44, v17;
	vm13 =	vlt.s32 v45, v17  }
.Ltmp6:
0x271: {  	vm7 =	vlt.s32 v48, v17;
	vm5 =	vlt.s32 v49, v17;
	vm8 =	vlt.s32 v47, v17;
	(pc) =	sbr.rel @p0 .LBB2_14-.Ltmp6, $4  }
0x272: {  	vm6 =	vlt.s32 v51, v17;
	vm4 =	vlt.s32 v52, v17;
	vm3 =	vlt.s32 v53, v17  }
0x273: {  	vm2 =	vlt.s32 v54, v17;
	vm1 =	vlt.s32 v55, v17;
	vm0 =	vlt.s32 v56, v17  }
0x274: {  	v7 =	vsel vm9, v40, v7;
	v39 =	vsel vm10, v43, v58;
	v38 =	vsel vm11, v23, v59  }
0x275: {  	v17 =	vsel vm14, v57, v62;
	v37 =	vsel vm12, v50, v60;
	v23 =	vsel vm13, v8, v61;
	[tilespmem:s5+$0x8010] =	vst v7  }
0x276: {  	[tilespmem:s5+$0x8020] =	vst v39  }
0x277: {  	[tilespmem:s5+$0x8030] =	vst v38  }
0x278: {  	[tilespmem:s5+$0x8040] =	vst v37  }
0x279: {  	[tilespmem:s5+$0x8050] =	vst v23  }
0x27a: {  	v7 =	vsel vm8, v24, v36;
	[tilespmem:s5+$0x8060] =	vst v17  }
0x27b: {  	v8 =	vsel vm7, v25, v35;
	[tilespmem:s5+$0x8070] =	vst v7  }
0x27c: {  	v7 =	vsel vm5, v27, v33;
	[tilespmem:s6+$0x8000] =	vst v8  }
0x27d: {  	v8 =	vsel vm6, v28, v34;
	[tilespmem:s3+$0x8010] =	vst v7  }
0x27e: {  	v7 =	vsel vm4, v18, v31;
	[tilespmem:s4+$0x8020] =	vst v8  }
0x27f: {  	s0 =	simm.s32 $0x18;
	v8 =	vsel vm3, v19, v30;
	[tilespmem:s26+$0x8030] =	vst v7  }
0x280: {  	v7 =	vsel vm2, v20, v32;
	[tilespmem:s24+$0x8040] =	vst v8;
	v8 =	vmov s0  }
0x281: {  	v17 =	vsel vm1, v22, v29;
	[tilespmem:s15+$0x8050] =	vst v7;
	v7 =	vshll.u32 v8, $0x9;
	v8 =	vshll.u32 v8, $0x7  }
0x282: {  	[tilespmem:s16+$0x8060] =	vst v17;
	v18 =	vsel vm0, v21, v26;
	v7 =	vand.u32 $0x3000, v7;
	v8 =	vand.u32 $0x380, v8  }
0x283: {  	s1 =	simm.s32 $0x5000;
	[tilespmem:s22+$0x8070] =	vst v18;
	s0 =	simm.s32 $0x19;
	v17 =	vor.u32 v8, v7  }
.LBB2_16:
0x284: {  	p0 =	sne.s32 s0, $0x1F  }
.Ltmp7:
0x285: {  	_ = 	snop;
	(pc) =	sbr.rel @p0 .LBB2_16-.Ltmp7, $4  }
0x286: {  	v7 =	vmov s0  }
0x287: {  	v8 =	vshll.u32 v7, $0x9;
	v7 =	vshll.u32 v7, $0x7  }
0x288: {  	v8 =	vand.u32 $0x3000, v8;
	v7 =	vand.u32 $0x380, v7  }
0x289: {  	s0 =	sadd.s32 $0x1, s0;
	[tilespmem:v17+s1+$0x0] =	vst.idx.msk $0x1, v6;
	v17 =	vor.u32 v7, v8  }
0x28a: {  	_ =	sdelay $0x3  }
0x28b: {  	[tilespmem:v17+s1+$0x0] =	vst.idx.msk $0x1, v6;
	s0 =	rddreg [dreg:$0xc];
	s25 =	simm.s32 $0x8000;
	s26 =	simm.s32 $0x5  }
0x28c: {  	[hbm4b:s0+s2] =	stream.linear.scatter [tilespmem:s25], [sflag:$0x8], $0x1000, $0x38;
	[tilespmem:$0xA080] =	vst v63  }
0x28d: {  	_ =	swait.ge [sflag:s26], $0x1000  }
0x28e: {  	[sflag:s26] =	ssyncset.done $0x0  }
0x28f: {  	s28 =	simm.s32 $0x6;
	[sflag:s26] =	ssyncadd.s32 $0xFFFFF000  }
0x290: {  	_ =	swait.ge [sflag:s28], $0x1000  }
0x291: {  	[sflag:s28] =	ssyncset.done $0x0  }
0x292: {  	s29 =	simm.s32 $0x7;
	[sflag:s28] =	ssyncadd.s32 $0xFFFFF000  }
0x293: {  	_ =	swait.ge [sflag:s29], $0x1000  }
0x294: {  	[sflag:s29] =	ssyncset.done $0x0  }
0x295: {  	s30 =	simm.s32 $0x8;
	[sflag:s29] =	ssyncadd.s32 $0xFFFFF000  }
0x296: {  	_ =	swait.ge [sflag:s30], $0x1000  }
0x297: {  	s3 =	rddreg [dreg:$0xe]  }
0x298: {  	s31 =	rddreg [dreg:$0xd];
	s3 =	sadd.s32 $0x1, s3  }
0x299: {  	p0 =	sne.s32 s3, s31  }
.Ltmp8:
0x29a: {  	_ = 	snop;
	(pc) =	sbr.rel @p0 .LBB2_1-.Ltmp8, $3  }
0x29b: {  	_ =	sdelay $0x1  }
0x29c: {  	[sflag:s30] =	ssyncset.done $0x0  }
0x29d: {  	s4 =	simm.s32 $0x9000;
	[sflag:s30] =	ssyncadd.s32 $0xFFFFF000  }
0x29e: {  	_ =	sfence.sel $0x180000  }
0x29f: {  	[bflag:$0x0] =	sbarrier.arrive $0xFFFF  }
0x2a0: {  	_ =	strace $0x90000047  }
0x2a1: {  	s0 =	stileid.u32;
	[bflag:$0x2] =	sbarrier.arrive $0xFFFF  }
0x2a2: {  	p0 =	sne.s32 s0, $0x0;
	s0 =	rddreg [dreg:$0x3]  }
0x2a3: {  	s0 =	sadd.s32 @!p0 $0x100000, s0  }
0x2a4: {  	[sflag:s0] =	ssyncadd.tile.s32 @!p0 $0x1;
	_ =	shalt  }
.Lfunc_end2:
_tile_overlayer_lowered:
.L_overlay_start_2:
0x2a5: {  	(tag) =	ssettag $0x2  }
0x2a6: {  	s0 =	rddreg [dreg:$0x0];
	s2 =	stileid.u32  }
0x2a7: {  	s1 =	rddreg [dreg:$0x1];
	p0 =	sne.s32 s2, $0x0  }
0x2a8: {  	s3 =	rddreg [dreg:$0x2];
	[bflag:$0x3] =	sbarrier.arrive $0xFFFF;
	s2 =	simm.s32 @!p0 $0x1C09  }
0x2a9: {  	[timem:s3], [sflag:s2] =	dma.local @!p0 [hbm:s0], s1  }
0x2aa: {  	s0 =	simm.s32 @!p0 $0x9  }
0x2ab: {  	_ =	swait.ge @!p0 [sflag:s0], s1  }
0x2ac: {  	s1 =	ssub.s32 @!p0 $0x0, s1;
	[sflag:s0] =	ssyncset.done @!p0 $0x0  }
0x2ad: {  	[sflag:s0] =	ssyncadd.s32 @!p0 s1  }
0x2ae: {  	[bflag:$0x3] =	sbarrier.arrive $0xFFFF  }
0x2af: {  	_ =	shalt  }

</sc_bundles>
